<compile_context>
chip_gen: v7x
topology: tpu7x:2x2x1
jax: 0.10.2.dev20260603
libtpu: 0.0.44.dev20260713+nightly
codegen_flags: <defaults>
</compile_context>

<pallas_src>
import functools

import jax
import jax.numpy as jnp
from jax import lax
from jax.experimental import pallas as pl
from jax.experimental.pallas import tpu as pltpu
from jax.experimental.pallas import tpu_sc as plsc

_CIDX = (7, 8, 10, 11, 20, 21, 22, 23)
_RADIUS = 0.1
_R2 = _RADIUS * _RADIUS
_SCALE = 1.0
_B = 4
_P = 16384
_QT = 32
_NTILE = 8
_QG = 8

_NC, _NS, _L = 2, 16, 16


def _sc_body(q_hbm, pts_hbm, len_hbm, out_hbm, pts_v, q_v, len_v, stage_v):
    wid = lax.axis_index("s") * _NC + lax.axis_index("c")
    b = wid // _NTILE
    t = wid % _NTILE

    pltpu.sync_copy(pts_hbm.at[pl.ds(b * (3 * _P), 3 * _P)], pts_v)
    pltpu.sync_copy(q_hbm.at[pl.ds((b * _NTILE + t) * (3 * _QT), 3 * _QT)],
                    q_v)
    pltpu.sync_copy(len_hbm, len_v)

    iota = lax.iota(jnp.int32, _L)
    lane0 = iota == 0
    lenb = plsc.load_gather(len_v, [jnp.full((_L,), b, jnp.int32)])

    nb2 = (jnp.max(lenb) + 31) // 32

    def qloop(g, carry):
        vacc, vcnt = carry
        qxs, qys, qzs = [], [], []
        for i in range(_QG):
            q = g * _QG + i
            qxs.append(plsc.load_gather(q_v, [jnp.full((_L,), q, jnp.int32)]))
            qys.append(plsc.load_gather(
                q_v, [jnp.full((_L,), _QT + q, jnp.int32)]))
            qzs.append(plsc.load_gather(
                q_v, [jnp.full((_L,), 2 * _QT + q, jnp.int32)]))

        def one_block(base, idxv, vacc, vcnt):
            px = pts_v[pl.ds(base, _L)]
            py = pts_v[pl.ds(_P + base, _L)]
            pz = pts_v[pl.ds(2 * _P + base, _L)]
            lm = (idxv > 0) & (idxv < lenb)
            for i in range(_QG):
                dx = qxs[i] - px
                dy = qys[i] - py
                dz = qzs[i] - pz
                d2 = dx * dx + dy * dy + dz * dz
                m = (d2 < _R2) & lm
                xc = jnp.maximum(d2, 1e-20)
                s = plsc.bitcast(
                    jnp.int32(0x5F375A86) - (plsc.bitcast(xc, jnp.int32) >> 1),
                    jnp.float32)
                h = 0.50062401 * xc
                y = s * (1.50087896 - h * s * s)
                nrm = xc * y
                vacc = vacc + jnp.where(m, _RADIUS - nrm, 0.0)
                vcnt = vcnt + plsc.all_reduce_population_count(m)
            return vacc, vcnt

        def bloop(blk2, carry2):
            vacc, vcnt, idxv = carry2
            base = blk2 * (2 * _L)
            vacc, vcnt = one_block(base, idxv, vacc, vcnt)
            vacc, vcnt = one_block(base + _L, idxv + _L, vacc, vcnt)
            return vacc, vcnt, idxv + 2 * _L

        vacc, vcnt, _ = lax.fori_loop(0, nb2, bloop, (vacc, vcnt, iota))
        return vacc, vcnt

    init = (jnp.zeros((_L,), jnp.float32), jnp.zeros((_L,), jnp.int32))
    vacc, vcnt = lax.fori_loop(0, _QT // _QG, qloop, init)

    s = jnp.sum(vacc)
    n = (jnp.sum(vcnt) // _L).astype(jnp.float32)
    stage = jnp.where(lane0, s, jnp.where(iota == 1, n, 0.0))
    stage_v[...] = stage
    pltpu.sync_copy(stage_v, out_hbm.at[pl.ds(wid * _L, _L)])


_sc_call = functools.partial(
    pl.kernel,
    out_type=jax.ShapeDtypeStruct((_NC * _NS * _L,), jnp.float32),
    mesh=plsc.VectorSubcoreMesh(core_axis_name="c", subcore_axis_name="s",
                                num_cores=_NC, num_subcores=_NS),
    compiler_params=pltpu.CompilerParams(needs_layout_passes=False),
    scratch_types=[
        pltpu.VMEM((3 * _P,), jnp.float32),
        pltpu.VMEM((3 * _QT,), jnp.float32),
        pltpu.VMEM((_L,), jnp.int32),
        pltpu.VMEM((_L,), jnp.float32),
    ],
)(_sc_body)


def _combine_body(x_ref, o_ref):
    x = x_ref[...]
    s = jnp.sum(x[:, 0])
    n = jnp.sum(x[:, 1])
    o_ref[0, 0] = jnp.where(n > 0.0, _SCALE * s / jnp.maximum(n, 1.0), 0.0)


def _combine(partials):
    return pl.pallas_call(
        _combine_body,
        out_shape=jax.ShapeDtypeStruct((1, 1), jnp.float32),
        in_specs=[pl.BlockSpec(memory_space=pltpu.VMEM)],
        out_specs=pl.BlockSpec(memory_space=pltpu.SMEM),
    )(partials)


def kernel(poses, joints, scene_points, lengths, offset):
    del poses
    bs, tlen = joints.shape[0], joints.shape[1]
    pos = joints[:, :, _CIDX, :].reshape(bs, tlen * len(_CIDX), 3)
    pos = pos + offset[:, 0][:, None, :]
    q = pos.transpose(0, 2, 1).reshape(bs, 3, _NTILE, _QT)
    q = q.transpose(0, 2, 1, 3).reshape(-1)
    pts = scene_points.transpose(0, 2, 1).reshape(-1)
    lens = jnp.zeros((_L,), jnp.int32).at[:bs].set(lengths)
    partials = _sc_call(q, pts, lens)
    out = _combine(partials.reshape(_NC * _NS, _L))
    return out[0, 0]

# --- scband reference (transcript-rebuilt; emitter-appended) ---
"""Pipeline reference for scband-scene-penetration-loss-11613591568945 (READ-ONLY COPY).

The authoritative reference and input builder live on the scoring server;
editing this copy changes nothing except your own understanding.
"""

import jax, jax.numpy as jnp
import numpy as np

CONTACT_IDXS = jnp.array([7, 8, 10, 11, 20, 21, 22, 23])
K_NEIGH = 4
RADIUS = 0.1
SCALE = 1.0


def setup_inputs(seed: int = 0) -> dict:
    key = jax.random.key(seed)
    k1, k2, k3, k4 = jax.random.split(key, 4)
    poses = jax.random.normal(k1, (4, 32, 63), dtype=jnp.float32)
    joints = jax.random.uniform(k2, (4, 32, 24, 3), dtype=jnp.float32)
    scene_points = jax.random.uniform(k3, (4, 16384, 3), dtype=jnp.float32)
    lengths = jax.random.randint(k4, (4,), 0, 16384, dtype=jnp.int32)
    offset = jnp.zeros((4, 32, 3), dtype=jnp.float32)
    return {"poses": poses, "joints": joints, "scene_points": scene_points,
            "lengths": lengths, "offset": offset}


def _ball_query(p1, p2, lengths2, K, radius):
    # p1: [B, Q, 3] queries; p2: [B, P, 3] padded point clouds
    B, P, _ = p2.shape
    d2 = jnp.sum((p1[:, :, None, :] - p2[:, None, :, :]) ** 2, axis=-1)  # [B, Q, P]
    in_rad = d2 < radius * radius
    valid_len = jnp.arange(P)[None, None, :] < lengths2[:, None, None]
    valid = in_rad & valid_len
    # pytorch3d ball_query keeps the first K points (by index) within the radius
    keys = jnp.where(valid, jnp.arange(P)[None, None, :], P)
    order = jnp.sort(keys, axis=-1)[:, :, :K]  # first K valid indices, P = invalid
    sel_valid = order < P
    idx = jnp.where(sel_valid, order, -1)
    idx_c = jnp.clip(order, 0, P - 1)
    nn = jax.vmap(lambda pts, od: pts[od])(p2, idx_c)  # [B, Q, K, 3]
    nn = jnp.where(sel_valid[..., None], nn, 0.0)
    dists = jnp.where(sel_valid, jnp.take_along_axis(d2, idx_c, axis=-1), 0.0)
    return dists, idx, nn


def reference(poses, joints, scene_points, lengths, offset):
    bs, tlen = joints.shape[0], joints.shape[1]
    positions = joints[:, :, CONTACT_IDXS]          # [bs, tlen, C, 3]
    positions = positions.reshape(bs, -1, 3)        # [bs, tlen*C, 3]
    off = offset[:, [0]]                            # [bs, 1, 3]
    pts = scene_points - off                        # scene.points_padded() - offset
    _, idx, nn = _ball_query(positions, pts, lengths, tlen * K_NEIGH, RADIUS)
    mask = idx > 0
    d2q = jnp.sum((positions[:, :, None, :] - nn) ** 2, axis=-1)
    nrm = jnp.sqrt(jnp.where(mask, jnp.maximum(d2q, 1e-20), 1.0))
    dist = jnp.sum(jnp.where(mask, RADIUS - nrm, 0.0))
    num_points = jnp.sum(mask)
    denum = jnp.where(num_points > 0,
                      1.0 / jnp.maximum(num_points, 1).astype(jnp.float32),
                      0.0)
    return SCALE * dist * denum

if __name__ == "__main__":
    import jax
    _d = setup_inputs()
    print(jax.jit(kernel)(*tuple(_d.values())))

</pallas_src>

<mosaic_0001>
#map = affine_map<(d0, d1) -> (0)>
module attributes {stable_mosaic.version = 14 : i64} {
  func.func @_sc_body(%arg0: i32, %arg1: i32, %arg2: memref<3072xf32, #tpu.memory_space<hbm>>, %arg3: memref<196608xf32, #tpu.memory_space<hbm>>, %arg4: memref<16xi32, #tpu.memory_space<hbm>>, %arg5: memref<512xf32, #tpu.memory_space<hbm>>, %arg6: memref<49152xf32, #tpu.memory_space<vmem>>, %arg7: memref<96xf32, #tpu.memory_space<vmem>>, %arg8: memref<16xi32, #tpu.memory_space<vmem>>, %arg9: memref<16xf32, #tpu.memory_space<vmem>>) attributes {dimension_semantics = [#tpu.dimension_semantics<core_parallel>, #tpu.dimension_semantics<subcore_parallel>], iteration_bounds = array<i64: 2, 16>, scalar_prefetch = 0 : i64, scratch_operands = 4 : i64, tpu.core_type = #tpu.core_type<sc_vector_subcore>, window_params = [{transform_indices = #map}, {transform_indices = #map}, {transform_indices = #map}, {transform_indices = #map}]} {
    %mul3A = arith.constant 2 : i32
    %mul3A_0 = arith.muli %arg1, %mul3A : i32
    %add3A = arith.addi %mul3A_0, %arg0 : i32
    %jit3A = arith.constant 8 : i32
    %div3A = arith.divsi %add3A, %jit3A : i32
    %sign3A = arith.constant 0 : i32
    %sign3A_1 = arith.cmpi sgt, %add3A, %sign3A : i32
    %sign3A_2 = arith.extui %sign3A_1 : i1 to i32
    %sign3A_3 = arith.constant 0 : i32
    %sign3A_4 = arith.cmpi slt, %add3A, %sign3A_3 : i32
    %sign3A_5 = arith.extui %sign3A_4 : i1 to i32
    %sign3A_6 = arith.subi %sign3A_2, %sign3A_5 : i32
    %sign3A_7 = arith.constant 0 : i32
    %sign3A_8 = arith.cmpi sgt, %jit3A, %sign3A_7 : i32
    %sign3A_9 = arith.extui %sign3A_8 : i1 to i32
    %sign3A_10 = arith.constant 0 : i32
    %sign3A_11 = arith.cmpi slt, %jit3A, %sign3A_10 : i32
    %sign3A_12 = arith.extui %sign3A_11 : i1 to i32
    %sign3A_13 = arith.subi %sign3A_9, %sign3A_12 : i32
    %ne3A = arith.cmpi ne, %sign3A_6, %sign3A_13 : i32
    %rem3A = arith.remsi %add3A, %jit3A : i32
    %ne3A_14 = arith.constant 0 : i32
    %ne3A_15 = arith.cmpi ne, %rem3A, %ne3A_14 : i32
    %and3A = arith.andi %ne3A, %ne3A_15 : i1
    %sub3A = arith.constant 1 : i32
    %sub3A_16 = arith.subi %div3A, %sub3A : i32
    %select_n3A = arith.select %and3A, %sub3A_16, %div3A : i32
    %jit3A_17 = arith.constant 8 : i32
    %eq3A = arith.constant 0 : i32
    %eq3A_18 = arith.cmpi eq, %jit3A_17, %eq3A : i32
    %jit3A_19 = arith.constant 1 : i32
    %select_n3A_20 = arith.select %eq3A_18, %jit3A_19, %jit3A_17 : i32
    %rem3A_21 = arith.remsi %add3A, %select_n3A_20 : i32
    %ne3A_22 = arith.constant 0 : i32
    %ne3A_23 = arith.cmpi ne, %rem3A_21, %ne3A_22 : i32
    %lt3A = arith.constant 0 : i32
    %lt3A_24 = arith.cmpi slt, %rem3A_21, %lt3A : i32
    %lt3A_25 = arith.constant 0 : i32
    %lt3A_26 = arith.cmpi slt, %select_n3A_20, %lt3A_25 : i32
    %ne3A_27 = arith.xori %lt3A_24, %lt3A_26 : i1
    %and3A_28 = arith.andi %ne3A_27, %ne3A_23 : i1
    %add3A_29 = arith.addi %rem3A_21, %select_n3A_20 : i32
    %select_n3A_30 = arith.select %and3A_28, %add3A_29, %rem3A_21 : i32
    %mul3A_31 = arith.constant 49152 : i32
    %mul3A_32 = arith.muli %select_n3A, %mul3A_31 : i32
    "tpu.region"() ({
      %run_scoped3A = tpu.sem_alloc : memref<!tpu.dma_semaphore, #tpu.memory_space<semaphore_mem>>
      %dma_start3A = tpu.memref_slice %arg3[%mul3A_32] : memref<196608xf32, #tpu.memory_space<hbm>> -> memref<49152xf32, #tpu.memory_space<hbm>>
      %dma_start3A_126 = tpu.memref_slice %arg3[%mul3A_32] : memref<196608xf32, #tpu.memory_space<hbm>> -> memref<49152xf32, #tpu.memory_space<hbm>>
      tpu.enqueue_dma source(%dma_start3A_126 : memref<49152xf32, #tpu.memory_space<hbm>>) target(%arg6 : memref<49152xf32, #tpu.memory_space<vmem>>) target_semaphore(%run_scoped3A : memref<!tpu.dma_semaphore, #tpu.memory_space<semaphore_mem>>)
      %dma_wait3A = tpu.memref_slice %arg3[%mul3A_32] : memref<196608xf32, #tpu.memory_space<hbm>> -> memref<49152xf32, #tpu.memory_space<hbm>>
      %dma_wait3A_127 = tpu.memref_slice %arg3[%mul3A_32] : memref<196608xf32, #tpu.memory_space<hbm>> -> memref<49152xf32, #tpu.memory_space<hbm>>
      tpu.wait_dma2 semaphore(%run_scoped3A : memref<!tpu.dma_semaphore, #tpu.memory_space<semaphore_mem>>) src(%dma_wait3A_127 : memref<49152xf32, #tpu.memory_space<hbm>>) dst(%arg6 : memref<49152xf32, #tpu.memory_space<vmem>>)
      tpu.yield
    }) : () -> ()
    %mul3A_33 = arith.constant 8 : i32
    %mul3A_34 = arith.muli %select_n3A, %mul3A_33 : i32
    %add3A_35 = arith.addi %mul3A_34, %select_n3A_30 : i32
    %mul3A_36 = arith.constant 96 : i32
    %mul3A_37 = arith.muli %add3A_35, %mul3A_36 : i32
    "tpu.region"() ({
      %run_scoped3A = tpu.sem_alloc : memref<!tpu.dma_semaphore, #tpu.memory_space<semaphore_mem>>
      %dma_start3A = tpu.memref_slice %arg2[%mul3A_37] : memref<3072xf32, #tpu.memory_space<hbm>> -> memref<96xf32, #tpu.memory_space<hbm>>
      %dma_start3A_126 = tpu.memref_slice %arg2[%mul3A_37] : memref<3072xf32, #tpu.memory_space<hbm>> -> memref<96xf32, #tpu.memory_space<hbm>>
      tpu.enqueue_dma source(%dma_start3A_126 : memref<96xf32, #tpu.memory_space<hbm>>) target(%arg7 : memref<96xf32, #tpu.memory_space<vmem>>) target_semaphore(%run_scoped3A : memref<!tpu.dma_semaphore, #tpu.memory_space<semaphore_mem>>)
      %dma_wait3A = tpu.memref_slice %arg2[%mul3A_37] : memref<3072xf32, #tpu.memory_space<hbm>> -> memref<96xf32, #tpu.memory_space<hbm>>
      %dma_wait3A_127 = tpu.memref_slice %arg2[%mul3A_37] : memref<3072xf32, #tpu.memory_space<hbm>> -> memref<96xf32, #tpu.memory_space<hbm>>
      tpu.wait_dma2 semaphore(%run_scoped3A : memref<!tpu.dma_semaphore, #tpu.memory_space<semaphore_mem>>) src(%dma_wait3A_127 : memref<96xf32, #tpu.memory_space<hbm>>) dst(%arg7 : memref<96xf32, #tpu.memory_space<vmem>>)
      tpu.yield
    }) : () -> ()
    "tpu.region"() ({
      %run_scoped3A = tpu.sem_alloc : memref<!tpu.dma_semaphore, #tpu.memory_space<semaphore_mem>>
      tpu.enqueue_dma source(%arg4 : memref<16xi32, #tpu.memory_space<hbm>>) target(%arg8 : memref<16xi32, #tpu.memory_space<vmem>>) target_semaphore(%run_scoped3A : memref<!tpu.dma_semaphore, #tpu.memory_space<semaphore_mem>>)
      tpu.wait_dma2 semaphore(%run_scoped3A : memref<!tpu.dma_semaphore, #tpu.memory_space<semaphore_mem>>) src(%arg4 : memref<16xi32, #tpu.memory_space<hbm>>) dst(%arg8 : memref<16xi32, #tpu.memory_space<vmem>>)
      tpu.yield
    }) : () -> ()
    %iota3A = tpu.iota {dimensions = array<i32: 0>} : vector<16xi32>
    %eq3A_38 = arith.constant 0 : i32
    %eq3A_39 = vector.broadcast %eq3A_38 : i32 to vector<16xi32>
    %eq3A_40 = arith.cmpi eq, %iota3A, %eq3A_39 : vector<16xi32>
    %broadcast_in_dim3A = vector.broadcast %select_n3A : i32 to vector<16xi32>
    %gather3A = tpu.vector_load_idx %arg8[%broadcast_in_dim3A] : memref<16xi32, #tpu.memory_space<vmem>>[vector<16xi32>], vector<16xi32>,
    %reduce_max3A = arith.constant true
    %reduce_max3A_41 = vector.broadcast %reduce_max3A : i1 to vector<16xi1>
    %reduce_max3A_42 = arith.constant -2147483648 : i32
    %reduce_max3A_43 = vector.broadcast %reduce_max3A_42 : i32 to vector<16xi32>
    %reduce_max3A_44 = arith.xori %gather3A, %reduce_max3A_43 : vector<16xi32>
    %reduce_max3A_45 = tpu.scan <max>, %reduce_max3A_44 masked %reduce_max3A_41 : vector<16xi32>, vector<16xi1> -> vector<16xi32>
    %reduce_max3A_46 = arith.xori %reduce_max3A_45, %reduce_max3A_43 : vector<16xi32>
    %reduce_max3A_47 = vector.extract %reduce_max3A_46[15] : i32 from vector<16xi32>
    %add3A_48 = arith.constant 31 : i32
    %add3A_49 = arith.addi %reduce_max3A_47, %add3A_48 : i32
    %jit3A_50 = arith.constant 32 : i32
    %div3A_51 = arith.divsi %add3A_49, %jit3A_50 : i32
    %sign3A_52 = arith.constant 0 : i32
    %sign3A_53 = arith.cmpi sgt, %add3A_49, %sign3A_52 : i32
    %sign3A_54 = arith.extui %sign3A_53 : i1 to i32
    %sign3A_55 = arith.constant 0 : i32
    %sign3A_56 = arith.cmpi slt, %add3A_49, %sign3A_55 : i32
    %sign3A_57 = arith.extui %sign3A_56 : i1 to i32
    %sign3A_58 = arith.subi %sign3A_54, %sign3A_57 : i32
    %sign3A_59 = arith.constant 0 : i32
    %sign3A_60 = arith.cmpi sgt, %jit3A_50, %sign3A_59 : i32
    %sign3A_61 = arith.extui %sign3A_60 : i1 to i32
    %sign3A_62 = arith.constant 0 : i32
    %sign3A_63 = arith.cmpi slt, %jit3A_50, %sign3A_62 : i32
    %sign3A_64 = arith.extui %sign3A_63 : i1 to i32
    %sign3A_65 = arith.subi %sign3A_61, %sign3A_64 : i32
    %ne3A_66 = arith.cmpi ne, %sign3A_58, %sign3A_65 : i32
    %rem3A_67 = arith.remsi %add3A_49, %jit3A_50 : i32
    %ne3A_68 = arith.constant 0 : i32
    %ne3A_69 = arith.cmpi ne, %rem3A_67, %ne3A_68 : i32
    %and3A_70 = arith.andi %ne3A_66, %ne3A_69 : i1
    %sub3A_71 = arith.constant 1 : i32
    %sub3A_72 = arith.subi %div3A_51, %sub3A_71 : i32
    %select_n3A_73 = arith.select %and3A_70, %sub3A_72, %div3A_51 : i32
    %broadcast_in_dim3A_74 = arith.constant 0.000000e+00 : f32
    %broadcast_in_dim3A_75 = vector.broadcast %broadcast_in_dim3A_74 : f32 to vector<16xf32>
    %broadcast_in_dim3A_76 = arith.constant 0 : i32
    %broadcast_in_dim3A_77 = vector.broadcast %broadcast_in_dim3A_76 : i32 to vector<16xi32>
    %scan3A = arith.constant 0 : i32
    %scan3A_78 = arith.constant 4 : i32
    %scan3A_79 = arith.addi %scan3A, %scan3A_78 : i32
    %scan3A_80 = arith.constant 1 : i32
    %scan3A_81:2 = scf.for %scan3A_126 = %scan3A to %scan3A_79 step %scan3A_80 iter_args(%scan3A_127 = %broadcast_in_dim3A_75, %scan3A_128 = %broadcast_in_dim3A_77) -> (vector<16xf32>, vector<16xi32>)  : i32 {
      %mul3A_129 = arith.constant 8 : i32
      %mul3A_130 = arith.muli %scan3A_126, %mul3A_129 : i32
      %add3A_131 = arith.constant 0 : i32
      %add3A_132 = arith.addi %mul3A_130, %add3A_131 : i32
      %broadcast_in_dim3A_133 = vector.broadcast %add3A_132 : i32 to vector<16xi32>
      %gather3A_134 = tpu.vector_load_idx %arg7[%broadcast_in_dim3A_133] : memref<96xf32, #tpu.memory_space<vmem>>[vector<16xi32>], vector<16xf32>,
      %add3A_135 = arith.constant 32 : i32
      %add3A_136 = arith.addi %add3A_135, %add3A_132 : i32
      %broadcast_in_dim3A_137 = vector.broadcast %add3A_136 : i32 to vector<16xi32>
      %gather3A_138 = tpu.vector_load_idx %arg7[%broadcast_in_dim3A_137] : memref<96xf32, #tpu.memory_space<vmem>>[vector<16xi32>], vector<16xf32>,
      %add3A_139 = arith.constant 64 : i32
      %add3A_140 = arith.addi %add3A_139, %add3A_132 : i32
      %broadcast_in_dim3A_141 = vector.broadcast %add3A_140 : i32 to vector<16xi32>
      %gather3A_142 = tpu.vector_load_idx %arg7[%broadcast_in_dim3A_141] : memref<96xf32, #tpu.memory_space<vmem>>[vector<16xi32>], vector<16xf32>,
      %mul3A_143 = arith.constant 8 : i32
      %mul3A_144 = arith.muli %scan3A_126, %mul3A_143 : i32
      %add3A_145 = arith.constant 1 : i32
      %add3A_146 = arith.addi %mul3A_144, %add3A_145 : i32
      %broadcast_in_dim3A_147 = vector.broadcast %add3A_146 : i32 to vector<16xi32>
      %gather3A_148 = tpu.vector_load_idx %arg7[%broadcast_in_dim3A_147] : memref<96xf32, #tpu.memory_space<vmem>>[vector<16xi32>], vector<16xf32>,
      %add3A_149 = arith.constant 32 : i32
      %add3A_150 = arith.addi %add3A_149, %add3A_146 : i32
      %broadcast_in_dim3A_151 = vector.broadcast %add3A_150 : i32 to vector<16xi32>
      %gather3A_152 = tpu.vector_load_idx %arg7[%broadcast_in_dim3A_151] : memref<96xf32, #tpu.memory_space<vmem>>[vector<16xi32>], vector<16xf32>,
      %add3A_153 = arith.constant 64 : i32
      %add3A_154 = arith.addi %add3A_153, %add3A_146 : i32
      %broadcast_in_dim3A_155 = vector.broadcast %add3A_154 : i32 to vector<16xi32>
      %gather3A_156 = tpu.vector_load_idx %arg7[%broadcast_in_dim3A_155] : memref<96xf32, #tpu.memory_space<vmem>>[vector<16xi32>], vector<16xf32>,
      %mul3A_157 = arith.constant 8 : i32
      %mul3A_158 = arith.muli %scan3A_126, %mul3A_157 : i32
      %add3A_159 = arith.constant 2 : i32
      %add3A_160 = arith.addi %mul3A_158, %add3A_159 : i32
      %broadcast_in_dim3A_161 = vector.broadcast %add3A_160 : i32 to vector<16xi32>
      %gather3A_162 = tpu.vector_load_idx %arg7[%broadcast_in_dim3A_161] : memref<96xf32, #tpu.memory_space<vmem>>[vector<16xi32>], vector<16xf32>,
      %add3A_163 = arith.constant 32 : i32
      %add3A_164 = arith.addi %add3A_163, %add3A_160 : i32
      %broadcast_in_dim3A_165 = vector.broadcast %add3A_164 : i32 to vector<16xi32>
      %gather3A_166 = tpu.vector_load_idx %arg7[%broadcast_in_dim3A_165] : memref<96xf32, #tpu.memory_space<vmem>>[vector<16xi32>], vector<16xf32>,
      %add3A_167 = arith.constant 64 : i32
      %add3A_168 = arith.addi %add3A_167, %add3A_160 : i32
      %broadcast_in_dim3A_169 = vector.broadcast %add3A_168 : i32 to vector<16xi32>
      %gather3A_170 = tpu.vector_load_idx %arg7[%broadcast_in_dim3A_169] : memref<96xf32, #tpu.memory_space<vmem>>[vector<16xi32>], vector<16xf32>,
      %mul3A_171 = arith.constant 8 : i32
      %mul3A_172 = arith.muli %scan3A_126, %mul3A_171 : i32
      %add3A_173 = arith.constant 3 : i32
      %add3A_174 = arith.addi %mul3A_172, %add3A_173 : i32
      %broadcast_in_dim3A_175 = vector.broadcast %add3A_174 : i32 to vector<16xi32>
      %gather3A_176 = tpu.vector_load_idx %arg7[%broadcast_in_dim3A_175] : memref<96xf32, #tpu.memory_space<vmem>>[vector<16xi32>], vector<16xf32>,
      %add3A_177 = arith.constant 32 : i32
      %add3A_178 = arith.addi %add3A_177, %add3A_174 : i32
      %broadcast_in_dim3A_179 = vector.broadcast %add3A_178 : i32 to vector<16xi32>
      %gather3A_180 = tpu.vector_load_idx %arg7[%broadcast_in_dim3A_179] : memref<96xf32, #tpu.memory_space<vmem>>[vector<16xi32>], vector<16xf32>,
      %add3A_181 = arith.constant 64 : i32
      %add3A_182 = arith.addi %add3A_181, %add3A_174 : i32
      %broadcast_in_dim3A_183 = vector.broadcast %add3A_182 : i32 to vector<16xi32>
      %gather3A_184 = tpu.vector_load_idx %arg7[%broadcast_in_dim3A_183] : memref<96xf32, #tpu.memory_space<vmem>>[vector<16xi32>], vector<16xf32>,
      %mul3A_185 = arith.constant 8 : i32
      %mul3A_186 = arith.muli %scan3A_126, %mul3A_185 : i32
      %add3A_187 = arith.constant 4 : i32
      %add3A_188 = arith.addi %mul3A_186, %add3A_187 : i32
      %broadcast_in_dim3A_189 = vector.broadcast %add3A_188 : i32 to vector<16xi32>
      %gather3A_190 = tpu.vector_load_idx %arg7[%broadcast_in_dim3A_189] : memref<96xf32, #tpu.memory_space<vmem>>[vector<16xi32>], vector<16xf32>,
      %add3A_191 = arith.constant 32 : i32
      %add3A_192 = arith.addi %add3A_191, %add3A_188 : i32
      %broadcast_in_dim3A_193 = vector.broadcast %add3A_192 : i32 to vector<16xi32>
      %gather3A_194 = tpu.vector_load_idx %arg7[%broadcast_in_dim3A_193] : memref<96xf32, #tpu.memory_space<vmem>>[vector<16xi32>], vector<16xf32>,
      %add3A_195 = arith.constant 64 : i32
      %add3A_196 = arith.addi %add3A_195, %add3A_188 : i32
      %broadcast_in_dim3A_197 = vector.broadcast %add3A_196 : i32 to vector<16xi32>
      %gather3A_198 = tpu.vector_load_idx %arg7[%broadcast_in_dim3A_197] : memref<96xf32, #tpu.memory_space<vmem>>[vector<16xi32>], vector<16xf32>,
      %mul3A_199 = arith.constant 8 : i32
      %mul3A_200 = arith.muli %scan3A_126, %mul3A_199 : i32
      %add3A_201 = arith.constant 5 : i32
      %add3A_202 = arith.addi %mul3A_200, %add3A_201 : i32
      %broadcast_in_dim3A_203 = vector.broadcast %add3A_202 : i32 to vector<16xi32>
      %gather3A_204 = tpu.vector_load_idx %arg7[%broadcast_in_dim3A_203] : memref<96xf32, #tpu.memory_space<vmem>>[vector<16xi32>], vector<16xf32>,
      %add3A_205 = arith.constant 32 : i32
      %add3A_206 = arith.addi %add3A_205, %add3A_202 : i32
      %broadcast_in_dim3A_207 = vector.broadcast %add3A_206 : i32 to vector<16xi32>
      %gather3A_208 = tpu.vector_load_idx %arg7[%broadcast_in_dim3A_207] : memref<96xf32, #tpu.memory_space<vmem>>[vector<16xi32>], vector<16xf32>,
      %add3A_209 = arith.constant 64 : i32
      %add3A_210 = arith.addi %add3A_209, %add3A_202 : i32
      %broadcast_in_dim3A_211 = vector.broadcast %add3A_210 : i32 to vector<16xi32>
      %gather3A_212 = tpu.vector_load_idx %arg7[%broadcast_in_dim3A_211] : memref<96xf32, #tpu.memory_space<vmem>>[vector<16xi32>], vector<16xf32>,
      %mul3A_213 = arith.constant 8 : i32
      %mul3A_214 = arith.muli %scan3A_126, %mul3A_213 : i32
      %add3A_215 = arith.constant 6 : i32
      %add3A_216 = arith.addi %mul3A_214, %add3A_215 : i32
      %broadcast_in_dim3A_217 = vector.broadcast %add3A_216 : i32 to vector<16xi32>
      %gather3A_218 = tpu.vector_load_idx %arg7[%broadcast_in_dim3A_217] : memref<96xf32, #tpu.memory_space<vmem>>[vector<16xi32>], vector<16xf32>,
      %add3A_219 = arith.constant 32 : i32
      %add3A_220 = arith.addi %add3A_219, %add3A_216 : i32
      %broadcast_in_dim3A_221 = vector.broadcast %add3A_220 : i32 to vector<16xi32>
      %gather3A_222 = tpu.vector_load_idx %arg7[%broadcast_in_dim3A_221] : memref<96xf32, #tpu.memory_space<vmem>>[vector<16xi32>], vector<16xf32>,
      %add3A_223 = arith.constant 64 : i32
      %add3A_224 = arith.addi %add3A_223, %add3A_216 : i32
      %broadcast_in_dim3A_225 = vector.broadcast %add3A_224 : i32 to vector<16xi32>
      %gather3A_226 = tpu.vector_load_idx %arg7[%broadcast_in_dim3A_225] : memref<96xf32, #tpu.memory_space<vmem>>[vector<16xi32>], vector<16xf32>,
      %mul3A_227 = arith.constant 8 : i32
      %mul3A_228 = arith.muli %scan3A_126, %mul3A_227 : i32
      %add3A_229 = arith.constant 7 : i32
      %add3A_230 = arith.addi %mul3A_228, %add3A_229 : i32
      %broadcast_in_dim3A_231 = vector.broadcast %add3A_230 : i32 to vector<16xi32>
      %gather3A_232 = tpu.vector_load_idx %arg7[%broadcast_in_dim3A_231] : memref<96xf32, #tpu.memory_space<vmem>>[vector<16xi32>], vector<16xf32>,
      %add3A_233 = arith.constant 32 : i32
      %add3A_234 = arith.addi %add3A_233, %add3A_230 : i32
      %broadcast_in_dim3A_235 = vector.broadcast %add3A_234 : i32 to vector<16xi32>
      %gather3A_236 = tpu.vector_load_idx %arg7[%broadcast_in_dim3A_235] : memref<96xf32, #tpu.memory_space<vmem>>[vector<16xi32>], vector<16xf32>,
      %add3A_237 = arith.constant 64 : i32
      %add3A_238 = arith.addi %add3A_237, %add3A_230 : i32
      %broadcast_in_dim3A_239 = vector.broadcast %add3A_238 : i32 to vector<16xi32>
      %gather3A_240 = tpu.vector_load_idx %arg7[%broadcast_in_dim3A_239] : memref<96xf32, #tpu.memory_space<vmem>>[vector<16xi32>], vector<16xf32>,
      %while3A = arith.constant 0 : i32
      %while3A_241 = arith.subi %select_n3A_73, %while3A : i32
      %while3A_242 = arith.addi %while3A, %while3A_241 : i32
      %while3A_243 = arith.constant 1 : i32
      %while3A_244 = arith.divsi %while3A_241, %while3A_243 : i32
      %while3A_245 = arith.muli %while3A_244, %while3A_243 : i32
      %while3A_246 = arith.addi %while3A, %while3A_245 : i32
      %while3A_247 = arith.constant 1 : i32
      %while3A_248:3 = scf.for %while3A_251 = %while3A to %while3A_246 step %while3A_247 iter_args(%while3A_252 = %scan3A_127, %while3A_253 = %scan3A_128, %while3A_254 = %iota3A) -> (vector<16xf32>, vector<16xi32>, vector<16xi32>)  : i32 {
        %mul3A_255 = arith.constant 32 : i32
        %mul3A_256 = arith.muli %while3A_251, %mul3A_255 : i32
        %get3A = arith.index_cast %mul3A_256 : i32 to index
        %get3A_257 = tpu.vector_load %arg6[%get3A] {strides = array<i32>} : memref<49152xf32, #tpu.memory_space<vmem>>, vector<16xf32>,
        %add3A_258 = arith.constant 16384 : i32
        %add3A_259 = arith.addi %add3A_258, %mul3A_256 : i32
        %get3A_260 = arith.index_cast %add3A_259 : i32 to index
        %get3A_261 = tpu.vector_load %arg6[%get3A_260] {strides = array<i32>} : memref<49152xf32, #tpu.memory_space<vmem>>, vector<16xf32>,
        %add3A_262 = arith.constant 32768 : i32
        %add3A_263 = arith.addi %add3A_262, %mul3A_256 : i32
        %get3A_264 = arith.index_cast %add3A_263 : i32 to index
        %get3A_265 = tpu.vector_load %arg6[%get3A_264] {strides = array<i32>} : memref<49152xf32, #tpu.memory_space<vmem>>, vector<16xf32>,
        %gt3A = arith.constant 0 : i32
        %gt3A_266 = vector.broadcast %gt3A : i32 to vector<16xi32>
        %gt3A_267 = arith.cmpi sgt, %while3A_254, %gt3A_266 : vector<16xi32>
        %lt3A_268 = arith.cmpi slt, %while3A_254, %gather3A : vector<16xi32>
        %and3A_269 = arith.andi %gt3A_267, %lt3A_268 : vector<16xi1>
        %sub3A_270 = arith.subf %gather3A_134, %get3A_257 : vector<16xf32>
        %sub3A_271 = arith.subf %gather3A_138, %get3A_261 : vector<16xf32>
        %sub3A_272 = arith.subf %gather3A_142, %get3A_265 : vector<16xf32>
        %mul3A_273 = arith.mulf %sub3A_270, %sub3A_270 : vector<16xf32>
        %mul3A_274 = arith.mulf %sub3A_271, %sub3A_271 : vector<16xf32>
        %add3A_275 = arith.addf %mul3A_273, %mul3A_274 : vector<16xf32>
        %mul3A_276 = arith.mulf %sub3A_272, %sub3A_272 : vector<16xf32>
        %add3A_277 = arith.addf %add3A_275, %mul3A_276 : vector<16xf32>
        %lt3A_278 = arith.constant 0.00999999977 : f32
        %lt3A_279 = vector.broadcast %lt3A_278 : f32 to vector<16xf32>
        %lt3A_280 = arith.cmpf olt, %add3A_277, %lt3A_279 : vector<16xf32>
        %and3A_281 = arith.andi %lt3A_280, %and3A_269 : vector<16xi1>
        %max3A = arith.constant 9.99999968E-21 : f32
        %max3A_282 = vector.broadcast %max3A : f32 to vector<16xf32>
        %max3A_283 = arith.maximumf %add3A_277, %max3A_282 : vector<16xf32>
        %bitcast3A = vector.bitcast %max3A_283 : vector<16xf32> to vector<16xi32>
        %shift_right_arithmetic3A = arith.constant 1 : i32
        %shift_right_arithmetic3A_284 = vector.broadcast %shift_right_arithmetic3A : i32 to vector<16xi32>
        %shift_right_arithmetic3A_285 = arith.shrsi %bitcast3A, %shift_right_arithmetic3A_284 : vector<16xi32>
        %sub3A_286 = arith.constant 1597463174 : i32
        %sub3A_287 = vector.broadcast %sub3A_286 : i32 to vector<16xi32>
        %sub3A_288 = arith.subi %sub3A_287, %shift_right_arithmetic3A_285 : vector<16xi32>
        %bitcast3A_289 = vector.bitcast %sub3A_288 : vector<16xi32> to vector<16xf32>
        %mul3A_290 = arith.constant 5.006240e-01 : f32
        %mul3A_291 = vector.broadcast %mul3A_290 : f32 to vector<16xf32>
        %mul3A_292 = arith.mulf %mul3A_291, %max3A_283 : vector<16xf32>
        %mul3A_293 = arith.mulf %mul3A_292, %bitcast3A_289 : vector<16xf32>
        %mul3A_294 = arith.mulf %mul3A_293, %bitcast3A_289 : vector<16xf32>
        %sub3A_295 = arith.constant 1.50087893 : f32
        %sub3A_296 = vector.broadcast %sub3A_295 : f32 to vector<16xf32>
        %sub3A_297 = arith.subf %sub3A_296, %mul3A_294 : vector<16xf32>
        %mul3A_298 = arith.mulf %bitcast3A_289, %sub3A_297 : vector<16xf32>
        %mul3A_299 = arith.mulf %max3A_283, %mul3A_298 : vector<16xf32>
        %sub3A_300 = arith.constant 1.000000e-01 : f32
        %sub3A_301 = vector.broadcast %sub3A_300 : f32 to vector<16xf32>
        %sub3A_302 = arith.subf %sub3A_301, %mul3A_299 : vector<16xf32>
        %jit3A_303 = arith.constant 0.000000e+00 : f32
        %broadcast_in_dim3A_304 = vector.broadcast %jit3A_303 : f32 to vector<16xf32>
        %select_n3A_305 = arith.select %and3A_281, %sub3A_302, %broadcast_in_dim3A_304 : vector<16xi1>, vector<16xf32>
        %add3A_306 = arith.addf %while3A_252, %select_n3A_305 : vector<16xf32>
        %all_reduce_population_count3A = tpu.all_reduce %and3A_281 {dim = 0 : i64, kind = #tpu.reduction_kind<sum>} : vector<16xi1> -> vector<16xi32>
        %add3A_307 = arith.addi %while3A_253, %all_reduce_population_count3A : vector<16xi32>
        %sub3A_308 = arith.subf %gather3A_148, %get3A_257 : vector<16xf32>
        %sub3A_309 = arith.subf %gather3A_152, %get3A_261 : vector<16xf32>
        %sub3A_310 = arith.subf %gather3A_156, %get3A_265 : vector<16xf32>
        %mul3A_311 = arith.mulf %sub3A_308, %sub3A_308 : vector<16xf32>
        %mul3A_312 = arith.mulf %sub3A_309, %sub3A_309 : vector<16xf32>
        %add3A_313 = arith.addf %mul3A_311, %mul3A_312 : vector<16xf32>
        %mul3A_314 = arith.mulf %sub3A_310, %sub3A_310 : vector<16xf32>
        %add3A_315 = arith.addf %add3A_313, %mul3A_314 : vector<16xf32>
        %lt3A_316 = arith.constant 0.00999999977 : f32
        %lt3A_317 = vector.broadcast %lt3A_316 : f32 to vector<16xf32>
        %lt3A_318 = arith.cmpf olt, %add3A_315, %lt3A_317 : vector<16xf32>
        %and3A_319 = arith.andi %lt3A_318, %and3A_269 : vector<16xi1>
        %max3A_320 = arith.constant 9.99999968E-21 : f32
        %max3A_321 = vector.broadcast %max3A_320 : f32 to vector<16xf32>
        %max3A_322 = arith.maximumf %add3A_315, %max3A_321 : vector<16xf32>
        %bitcast3A_323 = vector.bitcast %max3A_322 : vector<16xf32> to vector<16xi32>
        %shift_right_arithmetic3A_324 = arith.constant 1 : i32
        %shift_right_arithmetic3A_325 = vector.broadcast %shift_right_arithmetic3A_324 : i32 to vector<16xi32>
        %shift_right_arithmetic3A_326 = arith.shrsi %bitcast3A_323, %shift_right_arithmetic3A_325 : vector<16xi32>
        %sub3A_327 = arith.constant 1597463174 : i32
        %sub3A_328 = vector.broadcast %sub3A_327 : i32 to vector<16xi32>
        %sub3A_329 = arith.subi %sub3A_328, %shift_right_arithmetic3A_326 : vector<16xi32>
        %bitcast3A_330 = vector.bitcast %sub3A_329 : vector<16xi32> to vector<16xf32>
        %mul3A_331 = arith.constant 5.006240e-01 : f32
        %mul3A_332 = vector.broadcast %mul3A_331 : f32 to vector<16xf32>
        %mul3A_333 = arith.mulf %mul3A_332, %max3A_322 : vector<16xf32>
        %mul3A_334 = arith.mulf %mul3A_333, %bitcast3A_330 : vector<16xf32>
        %mul3A_335 = arith.mulf %mul3A_334, %bitcast3A_330 : vector<16xf32>
        %sub3A_336 = arith.constant 1.50087893 : f32
        %sub3A_337 = vector.broadcast %sub3A_336 : f32 to vector<16xf32>
        %sub3A_338 = arith.subf %sub3A_337, %mul3A_335 : vector<16xf32>
        %mul3A_339 = arith.mulf %bitcast3A_330, %sub3A_338 : vector<16xf32>
        %mul3A_340 = arith.mulf %max3A_322, %mul3A_339 : vector<16xf32>
        %sub3A_341 = arith.constant 1.000000e-01 : f32
        %sub3A_342 = vector.broadcast %sub3A_341 : f32 to vector<16xf32>
        %sub3A_343 = arith.subf %sub3A_342, %mul3A_340 : vector<16xf32>
        %jit3A_344 = arith.constant 0.000000e+00 : f32
        %broadcast_in_dim3A_345 = vector.broadcast %jit3A_344 : f32 to vector<16xf32>
        %select_n3A_346 = arith.select %and3A_319, %sub3A_343, %broadcast_in_dim3A_345 : vector<16xi1>, vector<16xf32>
        %add3A_347 = arith.addf %add3A_306, %select_n3A_346 : vector<16xf32>
        %all_reduce_population_count3A_348 = tpu.all_reduce %and3A_319 {dim = 0 : i64, kind = #tpu.reduction_kind<sum>} : vector<16xi1> -> vector<16xi32>
        %add3A_349 = arith.addi %add3A_307, %all_reduce_population_count3A_348 : vector<16xi32>
        %sub3A_350 = arith.subf %gather3A_162, %get3A_257 : vector<16xf32>
        %sub3A_351 = arith.subf %gather3A_166, %get3A_261 : vector<16xf32>
        %sub3A_352 = arith.subf %gather3A_170, %get3A_265 : vector<16xf32>
        %mul3A_353 = arith.mulf %sub3A_350, %sub3A_350 : vector<16xf32>
        %mul3A_354 = arith.mulf %sub3A_351, %sub3A_351 : vector<16xf32>
        %add3A_355 = arith.addf %mul3A_353, %mul3A_354 : vector<16xf32>
        %mul3A_356 = arith.mulf %sub3A_352, %sub3A_352 : vector<16xf32>
        %add3A_357 = arith.addf %add3A_355, %mul3A_356 : vector<16xf32>
        %lt3A_358 = arith.constant 0.00999999977 : f32
        %lt3A_359 = vector.broadcast %lt3A_358 : f32 to vector<16xf32>
        %lt3A_360 = arith.cmpf olt, %add3A_357, %lt3A_359 : vector<16xf32>
        %and3A_361 = arith.andi %lt3A_360, %and3A_269 : vector<16xi1>
        %max3A_362 = arith.constant 9.99999968E-21 : f32
        %max3A_363 = vector.broadcast %max3A_362 : f32 to vector<16xf32>
        %max3A_364 = arith.maximumf %add3A_357, %max3A_363 : vector<16xf32>
        %bitcast3A_365 = vector.bitcast %max3A_364 : vector<16xf32> to vector<16xi32>
        %shift_right_arithmetic3A_366 = arith.constant 1 : i32
        %shift_right_arithmetic3A_367 = vector.broadcast %shift_right_arithmetic3A_366 : i32 to vector<16xi32>
        %shift_right_arithmetic3A_368 = arith.shrsi %bitcast3A_365, %shift_right_arithmetic3A_367 : vector<16xi32>
        %sub3A_369 = arith.constant 1597463174 : i32
        %sub3A_370 = vector.broadcast %sub3A_369 : i32 to vector<16xi32>
        %sub3A_371 = arith.subi %sub3A_370, %shift_right_arithmetic3A_368 : vector<16xi32>
        %bitcast3A_372 = vector.bitcast %sub3A_371 : vector<16xi32> to vector<16xf32>
        %mul3A_373 = arith.constant 5.006240e-01 : f32
        %mul3A_374 = vector.broadcast %mul3A_373 : f32 to vector<16xf32>
        %mul3A_375 = arith.mulf %mul3A_374, %max3A_364 : vector<16xf32>
        %mul3A_376 = arith.mulf %mul3A_375, %bitcast3A_372 : vector<16xf32>
        %mul3A_377 = arith.mulf %mul3A_376, %bitcast3A_372 : vector<16xf32>
        %sub3A_378 = arith.constant 1.50087893 : f32
        %sub3A_379 = vector.broadcast %sub3A_378 : f32 to vector<16xf32>
        %sub3A_380 = arith.subf %sub3A_379, %mul3A_377 : vector<16xf32>
        %mul3A_381 = arith.mulf %bitcast3A_372, %sub3A_380 : vector<16xf32>
        %mul3A_382 = arith.mulf %max3A_364, %mul3A_381 : vector<16xf32>
        %sub3A_383 = arith.constant 1.000000e-01 : f32
        %sub3A_384 = vector.broadcast %sub3A_383 : f32 to vector<16xf32>
        %sub3A_385 = arith.subf %sub3A_384, %mul3A_382 : vector<16xf32>
        %jit3A_386 = arith.constant 0.000000e+00 : f32
        %broadcast_in_dim3A_387 = vector.broadcast %jit3A_386 : f32 to vector<16xf32>
        %select_n3A_388 = arith.select %and3A_361, %sub3A_385, %broadcast_in_dim3A_387 : vector<16xi1>, vector<16xf32>
        %add3A_389 = arith.addf %add3A_347, %select_n3A_388 : vector<16xf32>
        %all_reduce_population_count3A_390 = tpu.all_reduce %and3A_361 {dim = 0 : i64, kind = #tpu.reduction_kind<sum>} : vector<16xi1> -> vector<16xi32>
        %add3A_391 = arith.addi %add3A_349, %all_reduce_population_count3A_390 : vector<16xi32>
        %sub3A_392 = arith.subf %gather3A_176, %get3A_257 : vector<16xf32>
        %sub3A_393 = arith.subf %gather3A_180, %get3A_261 : vector<16xf32>
        %sub3A_394 = arith.subf %gather3A_184, %get3A_265 : vector<16xf32>
        %mul3A_395 = arith.mulf %sub3A_392, %sub3A_392 : vector<16xf32>
        %mul3A_396 = arith.mulf %sub3A_393, %sub3A_393 : vector<16xf32>
        %add3A_397 = arith.addf %mul3A_395, %mul3A_396 : vector<16xf32>
        %mul3A_398 = arith.mulf %sub3A_394, %sub3A_394 : vector<16xf32>
        %add3A_399 = arith.addf %add3A_397, %mul3A_398 : vector<16xf32>
        %lt3A_400 = arith.constant 0.00999999977 : f32
        %lt3A_401 = vector.broadcast %lt3A_400 : f32 to vector<16xf32>
        %lt3A_402 = arith.cmpf olt, %add3A_399, %lt3A_401 : vector<16xf32>
        %and3A_403 = arith.andi %lt3A_402, %and3A_269 : vector<16xi1>
        %max3A_404 = arith.constant 9.99999968E-21 : f32
        %max3A_405 = vector.broadcast %max3A_404 : f32 to vector<16xf32>
        %max3A_406 = arith.maximumf %add3A_399, %max3A_405 : vector<16xf32>
        %bitcast3A_407 = vector.bitcast %max3A_406 : vector<16xf32> to vector<16xi32>
        %shift_right_arithmetic3A_408 = arith.constant 1 : i32
        %shift_right_arithmetic3A_409 = vector.broadcast %shift_right_arithmetic3A_408 : i32 to vector<16xi32>
        %shift_right_arithmetic3A_410 = arith.shrsi %bitcast3A_407, %shift_right_arithmetic3A_409 : vector<16xi32>
        %sub3A_411 = arith.constant 1597463174 : i32
        %sub3A_412 = vector.broadcast %sub3A_411 : i32 to vector<16xi32>
        %sub3A_413 = arith.subi %sub3A_412, %shift_right_arithmetic3A_410 : vector<16xi32>
        %bitcast3A_414 = vector.bitcast %sub3A_413 : vector<16xi32> to vector<16xf32>
        %mul3A_415 = arith.constant 5.006240e-01 : f32
        %mul3A_416 = vector.broadcast %mul3A_415 : f32 to vector<16xf32>
        %mul3A_417 = arith.mulf %mul3A_416, %max3A_406 : vector<16xf32>
        %mul3A_418 = arith.mulf %mul3A_417, %bitcast3A_414 : vector<16xf32>
        %mul3A_419 = arith.mulf %mul3A_418, %bitcast3A_414 : vector<16xf32>
        %sub3A_420 = arith.constant 1.50087893 : f32
        %sub3A_421 = vector.broadcast %sub3A_420 : f32 to vector<16xf32>
        %sub3A_422 = arith.subf %sub3A_421, %mul3A_419 : vector<16xf32>
        %mul3A_423 = arith.mulf %bitcast3A_414, %sub3A_422 : vector<16xf32>
        %mul3A_424 = arith.mulf %max3A_406, %mul3A_423 : vector<16xf32>
        %sub3A_425 = arith.constant 1.000000e-01 : f32
        %sub3A_426 = vector.broadcast %sub3A_425 : f32 to vector<16xf32>
        %sub3A_427 = arith.subf %sub3A_426, %mul3A_424 : vector<16xf32>
        %jit3A_428 = arith.constant 0.000000e+00 : f32
        %broadcast_in_dim3A_429 = vector.broadcast %jit3A_428 : f32 to vector<16xf32>
        %select_n3A_430 = arith.select %and3A_403, %sub3A_427, %broadcast_in_dim3A_429 : vector<16xi1>, vector<16xf32>
        %add3A_431 = arith.addf %add3A_389, %select_n3A_430 : vector<16xf32>
        %all_reduce_population_count3A_432 = tpu.all_reduce %and3A_403 {dim = 0 : i64, kind = #tpu.reduction_kind<sum>} : vector<16xi1> -> vector<16xi32>
        %add3A_433 = arith.addi %add3A_391, %all_reduce_population_count3A_432 : vector<16xi32>
        %sub3A_434 = arith.subf %gather3A_190, %get3A_257 : vector<16xf32>
        %sub3A_435 = arith.subf %gather3A_194, %get3A_261 : vector<16xf32>
        %sub3A_436 = arith.subf %gather3A_198, %get3A_265 : vector<16xf32>
        %mul3A_437 = arith.mulf %sub3A_434, %sub3A_434 : vector<16xf32>
        %mul3A_438 = arith.mulf %sub3A_435, %sub3A_435 : vector<16xf32>
        %add3A_439 = arith.addf %mul3A_437, %mul3A_438 : vector<16xf32>
        %mul3A_440 = arith.mulf %sub3A_436, %sub3A_436 : vector<16xf32>
        %add3A_441 = arith.addf %add3A_439, %mul3A_440 : vector<16xf32>
        %lt3A_442 = arith.constant 0.00999999977 : f32
        %lt3A_443 = vector.broadcast %lt3A_442 : f32 to vector<16xf32>
        %lt3A_444 = arith.cmpf olt, %add3A_441, %lt3A_443 : vector<16xf32>
        %and3A_445 = arith.andi %lt3A_444, %and3A_269 : vector<16xi1>
        %max3A_446 = arith.constant 9.99999968E-21 : f32
        %max3A_447 = vector.broadcast %max3A_446 : f32 to vector<16xf32>
        %max3A_448 = arith.maximumf %add3A_441, %max3A_447 : vector<16xf32>
        %bitcast3A_449 = vector.bitcast %max3A_448 : vector<16xf32> to vector<16xi32>
        %shift_right_arithmetic3A_450 = arith.constant 1 : i32
        %shift_right_arithmetic3A_451 = vector.broadcast %shift_right_arithmetic3A_450 : i32 to vector<16xi32>
        %shift_right_arithmetic3A_452 = arith.shrsi %bitcast3A_449, %shift_right_arithmetic3A_451 : vector<16xi32>
        %sub3A_453 = arith.constant 1597463174 : i32
        %sub3A_454 = vector.broadcast %sub3A_453 : i32 to vector<16xi32>
        %sub3A_455 = arith.subi %sub3A_454, %shift_right_arithmetic3A_452 : vector<16xi32>
        %bitcast3A_456 = vector.bitcast %sub3A_455 : vector<16xi32> to vector<16xf32>
        %mul3A_457 = arith.constant 5.006240e-01 : f32
        %mul3A_458 = vector.broadcast %mul3A_457 : f32 to vector<16xf32>
        %mul3A_459 = arith.mulf %mul3A_458, %max3A_448 : vector<16xf32>
        %mul3A_460 = arith.mulf %mul3A_459, %bitcast3A_456 : vector<16xf32>
        %mul3A_461 = arith.mulf %mul3A_460, %bitcast3A_456 : vector<16xf32>
        %sub3A_462 = arith.constant 1.50087893 : f32
        %sub3A_463 = vector.broadcast %sub3A_462 : f32 to vector<16xf32>
        %sub3A_464 = arith.subf %sub3A_463, %mul3A_461 : vector<16xf32>
        %mul3A_465 = arith.mulf %bitcast3A_456, %sub3A_464 : vector<16xf32>
        %mul3A_466 = arith.mulf %max3A_448, %mul3A_465 : vector<16xf32>
        %sub3A_467 = arith.constant 1.000000e-01 : f32
        %sub3A_468 = vector.broadcast %sub3A_467 : f32 to vector<16xf32>
        %sub3A_469 = arith.subf %sub3A_468, %mul3A_466 : vector<16xf32>
        %jit3A_470 = arith.constant 0.000000e+00 : f32
        %broadcast_in_dim3A_471 = vector.broadcast %jit3A_470 : f32 to vector<16xf32>
        %select_n3A_472 = arith.select %and3A_445, %sub3A_469, %broadcast_in_dim3A_471 : vector<16xi1>, vector<16xf32>
        %add3A_473 = arith.addf %add3A_431, %select_n3A_472 : vector<16xf32>
        %all_reduce_population_count3A_474 = tpu.all_reduce %and3A_445 {dim = 0 : i64, kind = #tpu.reduction_kind<sum>} : vector<16xi1> -> vector<16xi32>
        %add3A_475 = arith.addi %add3A_433, %all_reduce_population_count3A_474 : vector<16xi32>
        %sub3A_476 = arith.subf %gather3A_204, %get3A_257 : vector<16xf32>
        %sub3A_477 = arith.subf %gather3A_208, %get3A_261 : vector<16xf32>
        %sub3A_478 = arith.subf %gather3A_212, %get3A_265 : vector<16xf32>
        %mul3A_479 = arith.mulf %sub3A_476, %sub3A_476 : vector<16xf32>
        %mul3A_480 = arith.mulf %sub3A_477, %sub3A_477 : vector<16xf32>
        %add3A_481 = arith.addf %mul3A_479, %mul3A_480 : vector<16xf32>
        %mul3A_482 = arith.mulf %sub3A_478, %sub3A_478 : vector<16xf32>
        %add3A_483 = arith.addf %add3A_481, %mul3A_482 : vector<16xf32>
        %lt3A_484 = arith.constant 0.00999999977 : f32
        %lt3A_485 = vector.broadcast %lt3A_484 : f32 to vector<16xf32>
        %lt3A_486 = arith.cmpf olt, %add3A_483, %lt3A_485 : vector<16xf32>
        %and3A_487 = arith.andi %lt3A_486, %and3A_269 : vector<16xi1>
        %max3A_488 = arith.constant 9.99999968E-21 : f32
        %max3A_489 = vector.broadcast %max3A_488 : f32 to vector<16xf32>
        %max3A_490 = arith.maximumf %add3A_483, %max3A_489 : vector<16xf32>
        %bitcast3A_491 = vector.bitcast %max3A_490 : vector<16xf32> to vector<16xi32>
        %shift_right_arithmetic3A_492 = arith.constant 1 : i32
        %shift_right_arithmetic3A_493 = vector.broadcast %shift_right_arithmetic3A_492 : i32 to vector<16xi32>
        %shift_right_arithmetic3A_494 = arith.shrsi %bitcast3A_491, %shift_right_arithmetic3A_493 : vector<16xi32>
        %sub3A_495 = arith.constant 1597463174 : i32
        %sub3A_496 = vector.broadcast %sub3A_495 : i32 to vector<16xi32>
        %sub3A_497 = arith.subi %sub3A_496, %shift_right_arithmetic3A_494 : vector<16xi32>
        %bitcast3A_498 = vector.bitcast %sub3A_497 : vector<16xi32> to vector<16xf32>
        %mul3A_499 = arith.constant 5.006240e-01 : f32
        %mul3A_500 = vector.broadcast %mul3A_499 : f32 to vector<16xf32>
        %mul3A_501 = arith.mulf %mul3A_500, %max3A_490 : vector<16xf32>
        %mul3A_502 = arith.mulf %mul3A_501, %bitcast3A_498 : vector<16xf32>
        %mul3A_503 = arith.mulf %mul3A_502, %bitcast3A_498 : vector<16xf32>
        %sub3A_504 = arith.constant 1.50087893 : f32
        %sub3A_505 = vector.broadcast %sub3A_504 : f32 to vector<16xf32>
        %sub3A_506 = arith.subf %sub3A_505, %mul3A_503 : vector<16xf32>
        %mul3A_507 = arith.mulf %bitcast3A_498, %sub3A_506 : vector<16xf32>
        %mul3A_508 = arith.mulf %max3A_490, %mul3A_507 : vector<16xf32>
        %sub3A_509 = arith.constant 1.000000e-01 : f32
        %sub3A_510 = vector.broadcast %sub3A_509 : f32 to vector<16xf32>
        %sub3A_511 = arith.subf %sub3A_510, %mul3A_508 : vector<16xf32>
        %jit3A_512 = arith.constant 0.000000e+00 : f32
        %broadcast_in_dim3A_513 = vector.broadcast %jit3A_512 : f32 to vector<16xf32>
        %select_n3A_514 = arith.select %and3A_487, %sub3A_511, %broadcast_in_dim3A_513 : vector<16xi1>, vector<16xf32>
        %add3A_515 = arith.addf %add3A_473, %select_n3A_514 : vector<16xf32>
        %all_reduce_population_count3A_516 = tpu.all_reduce %and3A_487 {dim = 0 : i64, kind = #tpu.reduction_kind<sum>} : vector<16xi1> -> vector<16xi32>
        %add3A_517 = arith.addi %add3A_475, %all_reduce_population_count3A_516 : vector<16xi32>
        %sub3A_518 = arith.subf %gather3A_218, %get3A_257 : vector<16xf32>
        %sub3A_519 = arith.subf %gather3A_222, %get3A_261 : vector<16xf32>
        %sub3A_520 = arith.subf %gather3A_226, %get3A_265 : vector<16xf32>
        %mul3A_521 = arith.mulf %sub3A_518, %sub3A_518 : vector<16xf32>
        %mul3A_522 = arith.mulf %sub3A_519, %sub3A_519 : vector<16xf32>
        %add3A_523 = arith.addf %mul3A_521, %mul3A_522 : vector<16xf32>
        %mul3A_524 = arith.mulf %sub3A_520, %sub3A_520 : vector<16xf32>
        %add3A_525 = arith.addf %add3A_523, %mul3A_524 : vector<16xf32>
        %lt3A_526 = arith.constant 0.00999999977 : f32
        %lt3A_527 = vector.broadcast %lt3A_526 : f32 to vector<16xf32>
        %lt3A_528 = arith.cmpf olt, %add3A_525, %lt3A_527 : vector<16xf32>
        %and3A_529 = arith.andi %lt3A_528, %and3A_269 : vector<16xi1>
        %max3A_530 = arith.constant 9.99999968E-21 : f32
        %max3A_531 = vector.broadcast %max3A_530 : f32 to vector<16xf32>
        %max3A_532 = arith.maximumf %add3A_525, %max3A_531 : vector<16xf32>
        %bitcast3A_533 = vector.bitcast %max3A_532 : vector<16xf32> to vector<16xi32>
        %shift_right_arithmetic3A_534 = arith.constant 1 : i32
        %shift_right_arithmetic3A_535 = vector.broadcast %shift_right_arithmetic3A_534 : i32 to vector<16xi32>
        %shift_right_arithmetic3A_536 = arith.shrsi %bitcast3A_533, %shift_right_arithmetic3A_535 : vector<16xi32>
        %sub3A_537 = arith.constant 1597463174 : i32
        %sub3A_538 = vector.broadcast %sub3A_537 : i32 to vector<16xi32>
        %sub3A_539 = arith.subi %sub3A_538, %shift_right_arithmetic3A_536 : vector<16xi32>
        %bitcast3A_540 = vector.bitcast %sub3A_539 : vector<16xi32> to vector<16xf32>
        %mul3A_541 = arith.constant 5.006240e-01 : f32
        %mul3A_542 = vector.broadcast %mul3A_541 : f32 to vector<16xf32>
        %mul3A_543 = arith.mulf %mul3A_542, %max3A_532 : vector<16xf32>
        %mul3A_544 = arith.mulf %mul3A_543, %bitcast3A_540 : vector<16xf32>
        %mul3A_545 = arith.mulf %mul3A_544, %bitcast3A_540 : vector<16xf32>
        %sub3A_546 = arith.constant 1.50087893 : f32
        %sub3A_547 = vector.broadcast %sub3A_546 : f32 to vector<16xf32>
        %sub3A_548 = arith.subf %sub3A_547, %mul3A_545 : vector<16xf32>
        %mul3A_549 = arith.mulf %bitcast3A_540, %sub3A_548 : vector<16xf32>
        %mul3A_550 = arith.mulf %max3A_532, %mul3A_549 : vector<16xf32>
        %sub3A_551 = arith.constant 1.000000e-01 : f32
        %sub3A_552 = vector.broadcast %sub3A_551 : f32 to vector<16xf32>
        %sub3A_553 = arith.subf %sub3A_552, %mul3A_550 : vector<16xf32>
        %jit3A_554 = arith.constant 0.000000e+00 : f32
        %broadcast_in_dim3A_555 = vector.broadcast %jit3A_554 : f32 to vector<16xf32>
        %select_n3A_556 = arith.select %and3A_529, %sub3A_553, %broadcast_in_dim3A_555 : vector<16xi1>, vector<16xf32>
        %add3A_557 = arith.addf %add3A_515, %select_n3A_556 : vector<16xf32>
        %all_reduce_population_count3A_558 = tpu.all_reduce %and3A_529 {dim = 0 : i64, kind = #tpu.reduction_kind<sum>} : vector<16xi1> -> vector<16xi32>
        %add3A_559 = arith.addi %add3A_517, %all_reduce_population_count3A_558 : vector<16xi32>
        %sub3A_560 = arith.subf %gather3A_232, %get3A_257 : vector<16xf32>
        %sub3A_561 = arith.subf %gather3A_236, %get3A_261 : vector<16xf32>
        %sub3A_562 = arith.subf %gather3A_240, %get3A_265 : vector<16xf32>
        %mul3A_563 = arith.mulf %sub3A_560, %sub3A_560 : vector<16xf32>
        %mul3A_564 = arith.mulf %sub3A_561, %sub3A_561 : vector<16xf32>
        %add3A_565 = arith.addf %mul3A_563, %mul3A_564 : vector<16xf32>
        %mul3A_566 = arith.mulf %sub3A_562, %sub3A_562 : vector<16xf32>
        %add3A_567 = arith.addf %add3A_565, %mul3A_566 : vector<16xf32>
        %lt3A_568 = arith.constant 0.00999999977 : f32
        %lt3A_569 = vector.broadcast %lt3A_568 : f32 to vector<16xf32>
        %lt3A_570 = arith.cmpf olt, %add3A_567, %lt3A_569 : vector<16xf32>
        %and3A_571 = arith.andi %lt3A_570, %and3A_269 : vector<16xi1>
        %max3A_572 = arith.constant 9.99999968E-21 : f32
        %max3A_573 = vector.broadcast %max3A_572 : f32 to vector<16xf32>
        %max3A_574 = arith.maximumf %add3A_567, %max3A_573 : vector<16xf32>
        %bitcast3A_575 = vector.bitcast %max3A_574 : vector<16xf32> to vector<16xi32>
        %shift_right_arithmetic3A_576 = arith.constant 1 : i32
        %shift_right_arithmetic3A_577 = vector.broadcast %shift_right_arithmetic3A_576 : i32 to vector<16xi32>
        %shift_right_arithmetic3A_578 = arith.shrsi %bitcast3A_575, %shift_right_arithmetic3A_577 : vector<16xi32>
        %sub3A_579 = arith.constant 1597463174 : i32
        %sub3A_580 = vector.broadcast %sub3A_579 : i32 to vector<16xi32>
        %sub3A_581 = arith.subi %sub3A_580, %shift_right_arithmetic3A_578 : vector<16xi32>
        %bitcast3A_582 = vector.bitcast %sub3A_581 : vector<16xi32> to vector<16xf32>
        %mul3A_583 = arith.constant 5.006240e-01 : f32
        %mul3A_584 = vector.broadcast %mul3A_583 : f32 to vector<16xf32>
        %mul3A_585 = arith.mulf %mul3A_584, %max3A_574 : vector<16xf32>
        %mul3A_586 = arith.mulf %mul3A_585, %bitcast3A_582 : vector<16xf32>
        %mul3A_587 = arith.mulf %mul3A_586, %bitcast3A_582 : vector<16xf32>
        %sub3A_588 = arith.constant 1.50087893 : f32
        %sub3A_589 = vector.broadcast %sub3A_588 : f32 to vector<16xf32>
        %sub3A_590 = arith.subf %sub3A_589, %mul3A_587 : vector<16xf32>
        %mul3A_591 = arith.mulf %bitcast3A_582, %sub3A_590 : vector<16xf32>
        %mul3A_592 = arith.mulf %max3A_574, %mul3A_591 : vector<16xf32>
        %sub3A_593 = arith.constant 1.000000e-01 : f32
        %sub3A_594 = vector.broadcast %sub3A_593 : f32 to vector<16xf32>
        %sub3A_595 = arith.subf %sub3A_594, %mul3A_592 : vector<16xf32>
        %jit3A_596 = arith.constant 0.000000e+00 : f32
        %broadcast_in_dim3A_597 = vector.broadcast %jit3A_596 : f32 to vector<16xf32>
        %select_n3A_598 = arith.select %and3A_571, %sub3A_595, %broadcast_in_dim3A_597 : vector<16xi1>, vector<16xf32>
        %add3A_599 = arith.addf %add3A_557, %select_n3A_598 : vector<16xf32>
        %all_reduce_population_count3A_600 = tpu.all_reduce %and3A_571 {dim = 0 : i64, kind = #tpu.reduction_kind<sum>} : vector<16xi1> -> vector<16xi32>
        %add3A_601 = arith.addi %add3A_559, %all_reduce_population_count3A_600 : vector<16xi32>
        %add3A_602 = arith.constant 16 : i32
        %add3A_603 = arith.addi %mul3A_256, %add3A_602 : i32
        %add3A_604 = arith.constant 16 : i32
        %add3A_605 = vector.broadcast %add3A_604 : i32 to vector<16xi32>
        %add3A_606 = arith.addi %while3A_254, %add3A_605 : vector<16xi32>
        %get3A_607 = arith.index_cast %add3A_603 : i32 to index
        %get3A_608 = tpu.vector_load %arg6[%get3A_607] {strides = array<i32>} : memref<49152xf32, #tpu.memory_space<vmem>>, vector<16xf32>,
        %add3A_609 = arith.constant 16384 : i32
        %add3A_610 = arith.addi %add3A_609, %add3A_603 : i32
        %get3A_611 = arith.index_cast %add3A_610 : i32 to index
        %get3A_612 = tpu.vector_load %arg6[%get3A_611] {strides = array<i32>} : memref<49152xf32, #tpu.memory_space<vmem>>, vector<16xf32>,
        %add3A_613 = arith.constant 32768 : i32
        %add3A_614 = arith.addi %add3A_613, %add3A_603 : i32
        %get3A_615 = arith.index_cast %add3A_614 : i32 to index
        %get3A_616 = tpu.vector_load %arg6[%get3A_615] {strides = array<i32>} : memref<49152xf32, #tpu.memory_space<vmem>>, vector<16xf32>,
        %gt3A_617 = arith.constant 0 : i32
        %gt3A_618 = vector.broadcast %gt3A_617 : i32 to vector<16xi32>
        %gt3A_619 = arith.cmpi sgt, %add3A_606, %gt3A_618 : vector<16xi32>
        %lt3A_620 = arith.cmpi slt, %add3A_606, %gather3A : vector<16xi32>
        %and3A_621 = arith.andi %gt3A_619, %lt3A_620 : vector<16xi1>
        %sub3A_622 = arith.subf %gather3A_134, %get3A_608 : vector<16xf32>
        %sub3A_623 = arith.subf %gather3A_138, %get3A_612 : vector<16xf32>
        %sub3A_624 = arith.subf %gather3A_142, %get3A_616 : vector<16xf32>
        %mul3A_625 = arith.mulf %sub3A_622, %sub3A_622 : vector<16xf32>
        %mul3A_626 = arith.mulf %sub3A_623, %sub3A_623 : vector<16xf32>
        %add3A_627 = arith.addf %mul3A_625, %mul3A_626 : vector<16xf32>
        %mul3A_628 = arith.mulf %sub3A_624, %sub3A_624 : vector<16xf32>
        %add3A_629 = arith.addf %add3A_627, %mul3A_628 : vector<16xf32>
        %lt3A_630 = arith.constant 0.00999999977 : f32
        %lt3A_631 = vector.broadcast %lt3A_630 : f32 to vector<16xf32>
        %lt3A_632 = arith.cmpf olt, %add3A_629, %lt3A_631 : vector<16xf32>
        %and3A_633 = arith.andi %lt3A_632, %and3A_621 : vector<16xi1>
        %max3A_634 = arith.constant 9.99999968E-21 : f32
        %max3A_635 = vector.broadcast %max3A_634 : f32 to vector<16xf32>
        %max3A_636 = arith.maximumf %add3A_629, %max3A_635 : vector<16xf32>
        %bitcast3A_637 = vector.bitcast %max3A_636 : vector<16xf32> to vector<16xi32>
        %shift_right_arithmetic3A_638 = arith.constant 1 : i32
        %shift_right_arithmetic3A_639 = vector.broadcast %shift_right_arithmetic3A_638 : i32 to vector<16xi32>
        %shift_right_arithmetic3A_640 = arith.shrsi %bitcast3A_637, %shift_right_arithmetic3A_639 : vector<16xi32>
        %sub3A_641 = arith.constant 1597463174 : i32
        %sub3A_642 = vector.broadcast %sub3A_641 : i32 to vector<16xi32>
        %sub3A_643 = arith.subi %sub3A_642, %shift_right_arithmetic3A_640 : vector<16xi32>
        %bitcast3A_644 = vector.bitcast %sub3A_643 : vector<16xi32> to vector<16xf32>
        %mul3A_645 = arith.constant 5.006240e-01 : f32
        %mul3A_646 = vector.broadcast %mul3A_645 : f32 to vector<16xf32>
        %mul3A_647 = arith.mulf %mul3A_646, %max3A_636 : vector<16xf32>
        %mul3A_648 = arith.mulf %mul3A_647, %bitcast3A_644 : vector<16xf32>
        %mul3A_649 = arith.mulf %mul3A_648, %bitcast3A_644 : vector<16xf32>
        %sub3A_650 = arith.constant 1.50087893 : f32
        %sub3A_651 = vector.broadcast %sub3A_650 : f32 to vector<16xf32>
        %sub3A_652 = arith.subf %sub3A_651, %mul3A_649 : vector<16xf32>
        %mul3A_653 = arith.mulf %bitcast3A_644, %sub3A_652 : vector<16xf32>
        %mul3A_654 = arith.mulf %max3A_636, %mul3A_653 : vector<16xf32>
        %sub3A_655 = arith.constant 1.000000e-01 : f32
        %sub3A_656 = vector.broadcast %sub3A_655 : f32 to vector<16xf32>
        %sub3A_657 = arith.subf %sub3A_656, %mul3A_654 : vector<16xf32>
        %jit3A_658 = arith.constant 0.000000e+00 : f32
        %broadcast_in_dim3A_659 = vector.broadcast %jit3A_658 : f32 to vector<16xf32>
        %select_n3A_660 = arith.select %and3A_633, %sub3A_657, %broadcast_in_dim3A_659 : vector<16xi1>, vector<16xf32>
        %add3A_661 = arith.addf %add3A_599, %select_n3A_660 : vector<16xf32>
        %all_reduce_population_count3A_662 = tpu.all_reduce %and3A_633 {dim = 0 : i64, kind = #tpu.reduction_kind<sum>} : vector<16xi1> -> vector<16xi32>
        %add3A_663 = arith.addi %add3A_601, %all_reduce_population_count3A_662 : vector<16xi32>
        %sub3A_664 = arith.subf %gather3A_148, %get3A_608 : vector<16xf32>
        %sub3A_665 = arith.subf %gather3A_152, %get3A_612 : vector<16xf32>
        %sub3A_666 = arith.subf %gather3A_156, %get3A_616 : vector<16xf32>
        %mul3A_667 = arith.mulf %sub3A_664, %sub3A_664 : vector<16xf32>
        %mul3A_668 = arith.mulf %sub3A_665, %sub3A_665 : vector<16xf32>
        %add3A_669 = arith.addf %mul3A_667, %mul3A_668 : vector<16xf32>
        %mul3A_670 = arith.mulf %sub3A_666, %sub3A_666 : vector<16xf32>
        %add3A_671 = arith.addf %add3A_669, %mul3A_670 : vector<16xf32>
        %lt3A_672 = arith.constant 0.00999999977 : f32
        %lt3A_673 = vector.broadcast %lt3A_672 : f32 to vector<16xf32>
        %lt3A_674 = arith.cmpf olt, %add3A_671, %lt3A_673 : vector<16xf32>
        %and3A_675 = arith.andi %lt3A_674, %and3A_621 : vector<16xi1>
        %max3A_676 = arith.constant 9.99999968E-21 : f32
        %max3A_677 = vector.broadcast %max3A_676 : f32 to vector<16xf32>
        %max3A_678 = arith.maximumf %add3A_671, %max3A_677 : vector<16xf32>
        %bitcast3A_679 = vector.bitcast %max3A_678 : vector<16xf32> to vector<16xi32>
        %shift_right_arithmetic3A_680 = arith.constant 1 : i32
        %shift_right_arithmetic3A_681 = vector.broadcast %shift_right_arithmetic3A_680 : i32 to vector<16xi32>
        %shift_right_arithmetic3A_682 = arith.shrsi %bitcast3A_679, %shift_right_arithmetic3A_681 : vector<16xi32>
        %sub3A_683 = arith.constant 1597463174 : i32
        %sub3A_684 = vector.broadcast %sub3A_683 : i32 to vector<16xi32>
        %sub3A_685 = arith.subi %sub3A_684, %shift_right_arithmetic3A_682 : vector<16xi32>
        %bitcast3A_686 = vector.bitcast %sub3A_685 : vector<16xi32> to vector<16xf32>
        %mul3A_687 = arith.constant 5.006240e-01 : f32
        %mul3A_688 = vector.broadcast %mul3A_687 : f32 to vector<16xf32>
        %mul3A_689 = arith.mulf %mul3A_688, %max3A_678 : vector<16xf32>
        %mul3A_690 = arith.mulf %mul3A_689, %bitcast3A_686 : vector<16xf32>
        %mul3A_691 = arith.mulf %mul3A_690, %bitcast3A_686 : vector<16xf32>
        %sub3A_692 = arith.constant 1.50087893 : f32
        %sub3A_693 = vector.broadcast %sub3A_692 : f32 to vector<16xf32>
        %sub3A_694 = arith.subf %sub3A_693, %mul3A_691 : vector<16xf32>
        %mul3A_695 = arith.mulf %bitcast3A_686, %sub3A_694 : vector<16xf32>
        %mul3A_696 = arith.mulf %max3A_678, %mul3A_695 : vector<16xf32>
        %sub3A_697 = arith.constant 1.000000e-01 : f32
        %sub3A_698 = vector.broadcast %sub3A_697 : f32 to vector<16xf32>
        %sub3A_699 = arith.subf %sub3A_698, %mul3A_696 : vector<16xf32>
        %jit3A_700 = arith.constant 0.000000e+00 : f32
        %broadcast_in_dim3A_701 = vector.broadcast %jit3A_700 : f32 to vector<16xf32>
        %select_n3A_702 = arith.select %and3A_675, %sub3A_699, %broadcast_in_dim3A_701 : vector<16xi1>, vector<16xf32>
        %add3A_703 = arith.addf %add3A_661, %select_n3A_702 : vector<16xf32>
        %all_reduce_population_count3A_704 = tpu.all_reduce %and3A_675 {dim = 0 : i64, kind = #tpu.reduction_kind<sum>} : vector<16xi1> -> vector<16xi32>
        %add3A_705 = arith.addi %add3A_663, %all_reduce_population_count3A_704 : vector<16xi32>
        %sub3A_706 = arith.subf %gather3A_162, %get3A_608 : vector<16xf32>
        %sub3A_707 = arith.subf %gather3A_166, %get3A_612 : vector<16xf32>
        %sub3A_708 = arith.subf %gather3A_170, %get3A_616 : vector<16xf32>
        %mul3A_709 = arith.mulf %sub3A_706, %sub3A_706 : vector<16xf32>
        %mul3A_710 = arith.mulf %sub3A_707, %sub3A_707 : vector<16xf32>
        %add3A_711 = arith.addf %mul3A_709, %mul3A_710 : vector<16xf32>
        %mul3A_712 = arith.mulf %sub3A_708, %sub3A_708 : vector<16xf32>
        %add3A_713 = arith.addf %add3A_711, %mul3A_712 : vector<16xf32>
        %lt3A_714 = arith.constant 0.00999999977 : f32
        %lt3A_715 = vector.broadcast %lt3A_714 : f32 to vector<16xf32>
        %lt3A_716 = arith.cmpf olt, %add3A_713, %lt3A_715 : vector<16xf32>
        %and3A_717 = arith.andi %lt3A_716, %and3A_621 : vector<16xi1>
        %max3A_718 = arith.constant 9.99999968E-21 : f32
        %max3A_719 = vector.broadcast %max3A_718 : f32 to vector<16xf32>
        %max3A_720 = arith.maximumf %add3A_713, %max3A_719 : vector<16xf32>
        %bitcast3A_721 = vector.bitcast %max3A_720 : vector<16xf32> to vector<16xi32>
        %shift_right_arithmetic3A_722 = arith.constant 1 : i32
        %shift_right_arithmetic3A_723 = vector.broadcast %shift_right_arithmetic3A_722 : i32 to vector<16xi32>
        %shift_right_arithmetic3A_724 = arith.shrsi %bitcast3A_721, %shift_right_arithmetic3A_723 : vector<16xi32>
        %sub3A_725 = arith.constant 1597463174 : i32
        %sub3A_726 = vector.broadcast %sub3A_725 : i32 to vector<16xi32>
        %sub3A_727 = arith.subi %sub3A_726, %shift_right_arithmetic3A_724 : vector<16xi32>
        %bitcast3A_728 = vector.bitcast %sub3A_727 : vector<16xi32> to vector<16xf32>
        %mul3A_729 = arith.constant 5.006240e-01 : f32
        %mul3A_730 = vector.broadcast %mul3A_729 : f32 to vector<16xf32>
        %mul3A_731 = arith.mulf %mul3A_730, %max3A_720 : vector<16xf32>
        %mul3A_732 = arith.mulf %mul3A_731, %bitcast3A_728 : vector<16xf32>
        %mul3A_733 = arith.mulf %mul3A_732, %bitcast3A_728 : vector<16xf32>
        %sub3A_734 = arith.constant 1.50087893 : f32
        %sub3A_735 = vector.broadcast %sub3A_734 : f32 to vector<16xf32>
        %sub3A_736 = arith.subf %sub3A_735, %mul3A_733 : vector<16xf32>
        %mul3A_737 = arith.mulf %bitcast3A_728, %sub3A_736 : vector<16xf32>
        %mul3A_738 = arith.mulf %max3A_720, %mul3A_737 : vector<16xf32>
        %sub3A_739 = arith.constant 1.000000e-01 : f32
        %sub3A_740 = vector.broadcast %sub3A_739 : f32 to vector<16xf32>
        %sub3A_741 = arith.subf %sub3A_740, %mul3A_738 : vector<16xf32>
        %jit3A_742 = arith.constant 0.000000e+00 : f32
        %broadcast_in_dim3A_743 = vector.broadcast %jit3A_742 : f32 to vector<16xf32>
        %select_n3A_744 = arith.select %and3A_717, %sub3A_741, %broadcast_in_dim3A_743 : vector<16xi1>, vector<16xf32>
        %add3A_745 = arith.addf %add3A_703, %select_n3A_744 : vector<16xf32>
        %all_reduce_population_count3A_746 = tpu.all_reduce %and3A_717 {dim = 0 : i64, kind = #tpu.reduction_kind<sum>} : vector<16xi1> -> vector<16xi32>
        %add3A_747 = arith.addi %add3A_705, %all_reduce_population_count3A_746 : vector<16xi32>
        %sub3A_748 = arith.subf %gather3A_176, %get3A_608 : vector<16xf32>
        %sub3A_749 = arith.subf %gather3A_180, %get3A_612 : vector<16xf32>
        %sub3A_750 = arith.subf %gather3A_184, %get3A_616 : vector<16xf32>
        %mul3A_751 = arith.mulf %sub3A_748, %sub3A_748 : vector<16xf32>
        %mul3A_752 = arith.mulf %sub3A_749, %sub3A_749 : vector<16xf32>
        %add3A_753 = arith.addf %mul3A_751, %mul3A_752 : vector<16xf32>
        %mul3A_754 = arith.mulf %sub3A_750, %sub3A_750 : vector<16xf32>
        %add3A_755 = arith.addf %add3A_753, %mul3A_754 : vector<16xf32>
        %lt3A_756 = arith.constant 0.00999999977 : f32
        %lt3A_757 = vector.broadcast %lt3A_756 : f32 to vector<16xf32>
        %lt3A_758 = arith.cmpf olt, %add3A_755, %lt3A_757 : vector<16xf32>
        %and3A_759 = arith.andi %lt3A_758, %and3A_621 : vector<16xi1>
        %max3A_760 = arith.constant 9.99999968E-21 : f32
        %max3A_761 = vector.broadcast %max3A_760 : f32 to vector<16xf32>
        %max3A_762 = arith.maximumf %add3A_755, %max3A_761 : vector<16xf32>
        %bitcast3A_763 = vector.bitcast %max3A_762 : vector<16xf32> to vector<16xi32>
        %shift_right_arithmetic3A_764 = arith.constant 1 : i32
        %shift_right_arithmetic3A_765 = vector.broadcast %shift_right_arithmetic3A_764 : i32 to vector<16xi32>
        %shift_right_arithmetic3A_766 = arith.shrsi %bitcast3A_763, %shift_right_arithmetic3A_765 : vector<16xi32>
        %sub3A_767 = arith.constant 1597463174 : i32
        %sub3A_768 = vector.broadcast %sub3A_767 : i32 to vector<16xi32>
        %sub3A_769 = arith.subi %sub3A_768, %shift_right_arithmetic3A_766 : vector<16xi32>
        %bitcast3A_770 = vector.bitcast %sub3A_769 : vector<16xi32> to vector<16xf32>
        %mul3A_771 = arith.constant 5.006240e-01 : f32
        %mul3A_772 = vector.broadcast %mul3A_771 : f32 to vector<16xf32>
        %mul3A_773 = arith.mulf %mul3A_772, %max3A_762 : vector<16xf32>
        %mul3A_774 = arith.mulf %mul3A_773, %bitcast3A_770 : vector<16xf32>
        %mul3A_775 = arith.mulf %mul3A_774, %bitcast3A_770 : vector<16xf32>
        %sub3A_776 = arith.constant 1.50087893 : f32
        %sub3A_777 = vector.broadcast %sub3A_776 : f32 to vector<16xf32>
        %sub3A_778 = arith.subf %sub3A_777, %mul3A_775 : vector<16xf32>
        %mul3A_779 = arith.mulf %bitcast3A_770, %sub3A_778 : vector<16xf32>
        %mul3A_780 = arith.mulf %max3A_762, %mul3A_779 : vector<16xf32>
        %sub3A_781 = arith.constant 1.000000e-01 : f32
        %sub3A_782 = vector.broadcast %sub3A_781 : f32 to vector<16xf32>
        %sub3A_783 = arith.subf %sub3A_782, %mul3A_780 : vector<16xf32>
        %jit3A_784 = arith.constant 0.000000e+00 : f32
        %broadcast_in_dim3A_785 = vector.broadcast %jit3A_784 : f32 to vector<16xf32>
        %select_n3A_786 = arith.select %and3A_759, %sub3A_783, %broadcast_in_dim3A_785 : vector<16xi1>, vector<16xf32>
        %add3A_787 = arith.addf %add3A_745, %select_n3A_786 : vector<16xf32>
        %all_reduce_population_count3A_788 = tpu.all_reduce %and3A_759 {dim = 0 : i64, kind = #tpu.reduction_kind<sum>} : vector<16xi1> -> vector<16xi32>
        %add3A_789 = arith.addi %add3A_747, %all_reduce_population_count3A_788 : vector<16xi32>
        %sub3A_790 = arith.subf %gather3A_190, %get3A_608 : vector<16xf32>
        %sub3A_791 = arith.subf %gather3A_194, %get3A_612 : vector<16xf32>
        %sub3A_792 = arith.subf %gather3A_198, %get3A_616 : vector<16xf32>
        %mul3A_793 = arith.mulf %sub3A_790, %sub3A_790 : vector<16xf32>
        %mul3A_794 = arith.mulf %sub3A_791, %sub3A_791 : vector<16xf32>
        %add3A_795 = arith.addf %mul3A_793, %mul3A_794 : vector<16xf32>
        %mul3A_796 = arith.mulf %sub3A_792, %sub3A_792 : vector<16xf32>
        %add3A_797 = arith.addf %add3A_795, %mul3A_796 : vector<16xf32>
        %lt3A_798 = arith.constant 0.00999999977 : f32
        %lt3A_799 = vector.broadcast %lt3A_798 : f32 to vector<16xf32>
        %lt3A_800 = arith.cmpf olt, %add3A_797, %lt3A_799 : vector<16xf32>
        %and3A_801 = arith.andi %lt3A_800, %and3A_621 : vector<16xi1>
        %max3A_802 = arith.constant 9.99999968E-21 : f32
        %max3A_803 = vector.broadcast %max3A_802 : f32 to vector<16xf32>
        %max3A_804 = arith.maximumf %add3A_797, %max3A_803 : vector<16xf32>
        %bitcast3A_805 = vector.bitcast %max3A_804 : vector<16xf32> to vector<16xi32>
        %shift_right_arithmetic3A_806 = arith.constant 1 : i32
        %shift_right_arithmetic3A_807 = vector.broadcast %shift_right_arithmetic3A_806 : i32 to vector<16xi32>
        %shift_right_arithmetic3A_808 = arith.shrsi %bitcast3A_805, %shift_right_arithmetic3A_807 : vector<16xi32>
        %sub3A_809 = arith.constant 1597463174 : i32
        %sub3A_810 = vector.broadcast %sub3A_809 : i32 to vector<16xi32>
        %sub3A_811 = arith.subi %sub3A_810, %shift_right_arithmetic3A_808 : vector<16xi32>
        %bitcast3A_812 = vector.bitcast %sub3A_811 : vector<16xi32> to vector<16xf32>
        %mul3A_813 = arith.constant 5.006240e-01 : f32
        %mul3A_814 = vector.broadcast %mul3A_813 : f32 to vector<16xf32>
        %mul3A_815 = arith.mulf %mul3A_814, %max3A_804 : vector<16xf32>
        %mul3A_816 = arith.mulf %mul3A_815, %bitcast3A_812 : vector<16xf32>
        %mul3A_817 = arith.mulf %mul3A_816, %bitcast3A_812 : vector<16xf32>
        %sub3A_818 = arith.constant 1.50087893 : f32
        %sub3A_819 = vector.broadcast %sub3A_818 : f32 to vector<16xf32>
        %sub3A_820 = arith.subf %sub3A_819, %mul3A_817 : vector<16xf32>
        %mul3A_821 = arith.mulf %bitcast3A_812, %sub3A_820 : vector<16xf32>
        %mul3A_822 = arith.mulf %max3A_804, %mul3A_821 : vector<16xf32>
        %sub3A_823 = arith.constant 1.000000e-01 : f32
        %sub3A_824 = vector.broadcast %sub3A_823 : f32 to vector<16xf32>
        %sub3A_825 = arith.subf %sub3A_824, %mul3A_822 : vector<16xf32>
        %jit3A_826 = arith.constant 0.000000e+00 : f32
        %broadcast_in_dim3A_827 = vector.broadcast %jit3A_826 : f32 to vector<16xf32>
        %select_n3A_828 = arith.select %and3A_801, %sub3A_825, %broadcast_in_dim3A_827 : vector<16xi1>, vector<16xf32>
        %add3A_829 = arith.addf %add3A_787, %select_n3A_828 : vector<16xf32>
        %all_reduce_population_count3A_830 = tpu.all_reduce %and3A_801 {dim = 0 : i64, kind = #tpu.reduction_kind<sum>} : vector<16xi1> -> vector<16xi32>
        %add3A_831 = arith.addi %add3A_789, %all_reduce_population_count3A_830 : vector<16xi32>
        %sub3A_832 = arith.subf %gather3A_204, %get3A_608 : vector<16xf32>
        %sub3A_833 = arith.subf %gather3A_208, %get3A_612 : vector<16xf32>
        %sub3A_834 = arith.subf %gather3A_212, %get3A_616 : vector<16xf32>
        %mul3A_835 = arith.mulf %sub3A_832, %sub3A_832 : vector<16xf32>
        %mul3A_836 = arith.mulf %sub3A_833, %sub3A_833 : vector<16xf32>
        %add3A_837 = arith.addf %mul3A_835, %mul3A_836 : vector<16xf32>
        %mul3A_838 = arith.mulf %sub3A_834, %sub3A_834 : vector<16xf32>
        %add3A_839 = arith.addf %add3A_837, %mul3A_838 : vector<16xf32>
        %lt3A_840 = arith.constant 0.00999999977 : f32
        %lt3A_841 = vector.broadcast %lt3A_840 : f32 to vector<16xf32>
        %lt3A_842 = arith.cmpf olt, %add3A_839, %lt3A_841 : vector<16xf32>
        %and3A_843 = arith.andi %lt3A_842, %and3A_621 : vector<16xi1>
        %max3A_844 = arith.constant 9.99999968E-21 : f32
        %max3A_845 = vector.broadcast %max3A_844 : f32 to vector<16xf32>
        %max3A_846 = arith.maximumf %add3A_839, %max3A_845 : vector<16xf32>
        %bitcast3A_847 = vector.bitcast %max3A_846 : vector<16xf32> to vector<16xi32>
        %shift_right_arithmetic3A_848 = arith.constant 1 : i32
        %shift_right_arithmetic3A_849 = vector.broadcast %shift_right_arithmetic3A_848 : i32 to vector<16xi32>
        %shift_right_arithmetic3A_850 = arith.shrsi %bitcast3A_847, %shift_right_arithmetic3A_849 : vector<16xi32>
        %sub3A_851 = arith.constant 1597463174 : i32
        %sub3A_852 = vector.broadcast %sub3A_851 : i32 to vector<16xi32>
        %sub3A_853 = arith.subi %sub3A_852, %shift_right_arithmetic3A_850 : vector<16xi32>
        %bitcast3A_854 = vector.bitcast %sub3A_853 : vector<16xi32> to vector<16xf32>
        %mul3A_855 = arith.constant 5.006240e-01 : f32
        %mul3A_856 = vector.broadcast %mul3A_855 : f32 to vector<16xf32>
        %mul3A_857 = arith.mulf %mul3A_856, %max3A_846 : vector<16xf32>
        %mul3A_858 = arith.mulf %mul3A_857, %bitcast3A_854 : vector<16xf32>
        %mul3A_859 = arith.mulf %mul3A_858, %bitcast3A_854 : vector<16xf32>
        %sub3A_860 = arith.constant 1.50087893 : f32
        %sub3A_861 = vector.broadcast %sub3A_860 : f32 to vector<16xf32>
        %sub3A_862 = arith.subf %sub3A_861, %mul3A_859 : vector<16xf32>
        %mul3A_863 = arith.mulf %bitcast3A_854, %sub3A_862 : vector<16xf32>
        %mul3A_864 = arith.mulf %max3A_846, %mul3A_863 : vector<16xf32>
        %sub3A_865 = arith.constant 1.000000e-01 : f32
        %sub3A_866 = vector.broadcast %sub3A_865 : f32 to vector<16xf32>
        %sub3A_867 = arith.subf %sub3A_866, %mul3A_864 : vector<16xf32>
        %jit3A_868 = arith.constant 0.000000e+00 : f32
        %broadcast_in_dim3A_869 = vector.broadcast %jit3A_868 : f32 to vector<16xf32>
        %select_n3A_870 = arith.select %and3A_843, %sub3A_867, %broadcast_in_dim3A_869 : vector<16xi1>, vector<16xf32>
        %add3A_871 = arith.addf %add3A_829, %select_n3A_870 : vector<16xf32>
        %all_reduce_population_count3A_872 = tpu.all_reduce %and3A_843 {dim = 0 : i64, kind = #tpu.reduction_kind<sum>} : vector<16xi1> -> vector<16xi32>
        %add3A_873 = arith.addi %add3A_831, %all_reduce_population_count3A_872 : vector<16xi32>
        %sub3A_874 = arith.subf %gather3A_218, %get3A_608 : vector<16xf32>
        %sub3A_875 = arith.subf %gather3A_222, %get3A_612 : vector<16xf32>
        %sub3A_876 = arith.subf %gather3A_226, %get3A_616 : vector<16xf32>
        %mul3A_877 = arith.mulf %sub3A_874, %sub3A_874 : vector<16xf32>
        %mul3A_878 = arith.mulf %sub3A_875, %sub3A_875 : vector<16xf32>
        %add3A_879 = arith.addf %mul3A_877, %mul3A_878 : vector<16xf32>
        %mul3A_880 = arith.mulf %sub3A_876, %sub3A_876 : vector<16xf32>
        %add3A_881 = arith.addf %add3A_879, %mul3A_880 : vector<16xf32>
        %lt3A_882 = arith.constant 0.00999999977 : f32
        %lt3A_883 = vector.broadcast %lt3A_882 : f32 to vector<16xf32>
        %lt3A_884 = arith.cmpf olt, %add3A_881, %lt3A_883 : vector<16xf32>
        %and3A_885 = arith.andi %lt3A_884, %and3A_621 : vector<16xi1>
        %max3A_886 = arith.constant 9.99999968E-21 : f32
        %max3A_887 = vector.broadcast %max3A_886 : f32 to vector<16xf32>
        %max3A_888 = arith.maximumf %add3A_881, %max3A_887 : vector<16xf32>
        %bitcast3A_889 = vector.bitcast %max3A_888 : vector<16xf32> to vector<16xi32>
        %shift_right_arithmetic3A_890 = arith.constant 1 : i32
        %shift_right_arithmetic3A_891 = vector.broadcast %shift_right_arithmetic3A_890 : i32 to vector<16xi32>
        %shift_right_arithmetic3A_892 = arith.shrsi %bitcast3A_889, %shift_right_arithmetic3A_891 : vector<16xi32>
        %sub3A_893 = arith.constant 1597463174 : i32
        %sub3A_894 = vector.broadcast %sub3A_893 : i32 to vector<16xi32>
        %sub3A_895 = arith.subi %sub3A_894, %shift_right_arithmetic3A_892 : vector<16xi32>
        %bitcast3A_896 = vector.bitcast %sub3A_895 : vector<16xi32> to vector<16xf32>
        %mul3A_897 = arith.constant 5.006240e-01 : f32
        %mul3A_898 = vector.broadcast %mul3A_897 : f32 to vector<16xf32>
        %mul3A_899 = arith.mulf %mul3A_898, %max3A_888 : vector<16xf32>
        %mul3A_900 = arith.mulf %mul3A_899, %bitcast3A_896 : vector<16xf32>
        %mul3A_901 = arith.mulf %mul3A_900, %bitcast3A_896 : vector<16xf32>
        %sub3A_902 = arith.constant 1.50087893 : f32
        %sub3A_903 = vector.broadcast %sub3A_902 : f32 to vector<16xf32>
        %sub3A_904 = arith.subf %sub3A_903, %mul3A_901 : vector<16xf32>
        %mul3A_905 = arith.mulf %bitcast3A_896, %sub3A_904 : vector<16xf32>
        %mul3A_906 = arith.mulf %max3A_888, %mul3A_905 : vector<16xf32>
        %sub3A_907 = arith.constant 1.000000e-01 : f32
        %sub3A_908 = vector.broadcast %sub3A_907 : f32 to vector<16xf32>
        %sub3A_909 = arith.subf %sub3A_908, %mul3A_906 : vector<16xf32>
        %jit3A_910 = arith.constant 0.000000e+00 : f32
        %broadcast_in_dim3A_911 = vector.broadcast %jit3A_910 : f32 to vector<16xf32>
        %select_n3A_912 = arith.select %and3A_885, %sub3A_909, %broadcast_in_dim3A_911 : vector<16xi1>, vector<16xf32>
        %add3A_913 = arith.addf %add3A_871, %select_n3A_912 : vector<16xf32>
        %all_reduce_population_count3A_914 = tpu.all_reduce %and3A_885 {dim = 0 : i64, kind = #tpu.reduction_kind<sum>} : vector<16xi1> -> vector<16xi32>
        %add3A_915 = arith.addi %add3A_873, %all_reduce_population_count3A_914 : vector<16xi32>
        %sub3A_916 = arith.subf %gather3A_232, %get3A_608 : vector<16xf32>
        %sub3A_917 = arith.subf %gather3A_236, %get3A_612 : vector<16xf32>
        %sub3A_918 = arith.subf %gather3A_240, %get3A_616 : vector<16xf32>
        %mul3A_919 = arith.mulf %sub3A_916, %sub3A_916 : vector<16xf32>
        %mul3A_920 = arith.mulf %sub3A_917, %sub3A_917 : vector<16xf32>
        %add3A_921 = arith.addf %mul3A_919, %mul3A_920 : vector<16xf32>
        %mul3A_922 = arith.mulf %sub3A_918, %sub3A_918 : vector<16xf32>
        %add3A_923 = arith.addf %add3A_921, %mul3A_922 : vector<16xf32>
        %lt3A_924 = arith.constant 0.00999999977 : f32
        %lt3A_925 = vector.broadcast %lt3A_924 : f32 to vector<16xf32>
        %lt3A_926 = arith.cmpf olt, %add3A_923, %lt3A_925 : vector<16xf32>
        %and3A_927 = arith.andi %lt3A_926, %and3A_621 : vector<16xi1>
        %max3A_928 = arith.constant 9.99999968E-21 : f32
        %max3A_929 = vector.broadcast %max3A_928 : f32 to vector<16xf32>
        %max3A_930 = arith.maximumf %add3A_923, %max3A_929 : vector<16xf32>
        %bitcast3A_931 = vector.bitcast %max3A_930 : vector<16xf32> to vector<16xi32>
        %shift_right_arithmetic3A_932 = arith.constant 1 : i32
        %shift_right_arithmetic3A_933 = vector.broadcast %shift_right_arithmetic3A_932 : i32 to vector<16xi32>
        %shift_right_arithmetic3A_934 = arith.shrsi %bitcast3A_931, %shift_right_arithmetic3A_933 : vector<16xi32>
        %sub3A_935 = arith.constant 1597463174 : i32
        %sub3A_936 = vector.broadcast %sub3A_935 : i32 to vector<16xi32>
        %sub3A_937 = arith.subi %sub3A_936, %shift_right_arithmetic3A_934 : vector<16xi32>
        %bitcast3A_938 = vector.bitcast %sub3A_937 : vector<16xi32> to vector<16xf32>
        %mul3A_939 = arith.constant 5.006240e-01 : f32
        %mul3A_940 = vector.broadcast %mul3A_939 : f32 to vector<16xf32>
        %mul3A_941 = arith.mulf %mul3A_940, %max3A_930 : vector<16xf32>
        %mul3A_942 = arith.mulf %mul3A_941, %bitcast3A_938 : vector<16xf32>
        %mul3A_943 = arith.mulf %mul3A_942, %bitcast3A_938 : vector<16xf32>
        %sub3A_944 = arith.constant 1.50087893 : f32
        %sub3A_945 = vector.broadcast %sub3A_944 : f32 to vector<16xf32>
        %sub3A_946 = arith.subf %sub3A_945, %mul3A_943 : vector<16xf32>
        %mul3A_947 = arith.mulf %bitcast3A_938, %sub3A_946 : vector<16xf32>
        %mul3A_948 = arith.mulf %max3A_930, %mul3A_947 : vector<16xf32>
        %sub3A_949 = arith.constant 1.000000e-01 : f32
        %sub3A_950 = vector.broadcast %sub3A_949 : f32 to vector<16xf32>
        %sub3A_951 = arith.subf %sub3A_950, %mul3A_948 : vector<16xf32>
        %jit3A_952 = arith.constant 0.000000e+00 : f32
        %broadcast_in_dim3A_953 = vector.broadcast %jit3A_952 : f32 to vector<16xf32>
        %select_n3A_954 = arith.select %and3A_927, %sub3A_951, %broadcast_in_dim3A_953 : vector<16xi1>, vector<16xf32>
        %add3A_955 = arith.addf %add3A_913, %select_n3A_954 : vector<16xf32>
        %all_reduce_population_count3A_956 = tpu.all_reduce %and3A_927 {dim = 0 : i64, kind = #tpu.reduction_kind<sum>} : vector<16xi1> -> vector<16xi32>
        %add3A_957 = arith.addi %add3A_915, %all_reduce_population_count3A_956 : vector<16xi32>
        %add3A_958 = arith.constant 32 : i32
        %add3A_959 = vector.broadcast %add3A_958 : i32 to vector<16xi32>
        %add3A_960 = arith.addi %while3A_254, %add3A_959 : vector<16xi32>
        scf.yield %add3A_955, %add3A_957, %add3A_960 : vector<16xf32>, vector<16xi32>, vector<16xi32>
      }
      %while3A_249 = arith.constant 1 : i32
      %while3A_250:3 = scf.for %while3A_251 = %while3A_246 to %while3A_242 step %while3A_249 iter_args(%while3A_252 = %while3A_248#0, %while3A_253 = %while3A_248#1, %while3A_254 = %while3A_248#2) -> (vector<16xf32>, vector<16xi32>, vector<16xi32>)  : i32 {
        %mul3A_255 = arith.constant 32 : i32
        %mul3A_256 = arith.muli %while3A_251, %mul3A_255 : i32
        %get3A = arith.index_cast %mul3A_256 : i32 to index
        %get3A_257 = tpu.vector_load %arg6[%get3A] {strides = array<i32>} : memref<49152xf32, #tpu.memory_space<vmem>>, vector<16xf32>,
        %add3A_258 = arith.constant 16384 : i32
        %add3A_259 = arith.addi %add3A_258, %mul3A_256 : i32
        %get3A_260 = arith.index_cast %add3A_259 : i32 to index
        %get3A_261 = tpu.vector_load %arg6[%get3A_260] {strides = array<i32>} : memref<49152xf32, #tpu.memory_space<vmem>>, vector<16xf32>,
        %add3A_262 = arith.constant 32768 : i32
        %add3A_263 = arith.addi %add3A_262, %mul3A_256 : i32
        %get3A_264 = arith.index_cast %add3A_263 : i32 to index
        %get3A_265 = tpu.vector_load %arg6[%get3A_264] {strides = array<i32>} : memref<49152xf32, #tpu.memory_space<vmem>>, vector<16xf32>,
        %gt3A = arith.constant 0 : i32
        %gt3A_266 = vector.broadcast %gt3A : i32 to vector<16xi32>
        %gt3A_267 = arith.cmpi sgt, %while3A_254, %gt3A_266 : vector<16xi32>
        %lt3A_268 = arith.cmpi slt, %while3A_254, %gather3A : vector<16xi32>
        %and3A_269 = arith.andi %gt3A_267, %lt3A_268 : vector<16xi1>
        %sub3A_270 = arith.subf %gather3A_134, %get3A_257 : vector<16xf32>
        %sub3A_271 = arith.subf %gather3A_138, %get3A_261 : vector<16xf32>
        %sub3A_272 = arith.subf %gather3A_142, %get3A_265 : vector<16xf32>
        %mul3A_273 = arith.mulf %sub3A_270, %sub3A_270 : vector<16xf32>
        %mul3A_274 = arith.mulf %sub3A_271, %sub3A_271 : vector<16xf32>
        %add3A_275 = arith.addf %mul3A_273, %mul3A_274 : vector<16xf32>
        %mul3A_276 = arith.mulf %sub3A_272, %sub3A_272 : vector<16xf32>
        %add3A_277 = arith.addf %add3A_275, %mul3A_276 : vector<16xf32>
        %lt3A_278 = arith.constant 0.00999999977 : f32
        %lt3A_279 = vector.broadcast %lt3A_278 : f32 to vector<16xf32>
        %lt3A_280 = arith.cmpf olt, %add3A_277, %lt3A_279 : vector<16xf32>
        %and3A_281 = arith.andi %lt3A_280, %and3A_269 : vector<16xi1>
        %max3A = arith.constant 9.99999968E-21 : f32
        %max3A_282 = vector.broadcast %max3A : f32 to vector<16xf32>
        %max3A_283 = arith.maximumf %add3A_277, %max3A_282 : vector<16xf32>
        %bitcast3A = vector.bitcast %max3A_283 : vector<16xf32> to vector<16xi32>
        %shift_right_arithmetic3A = arith.constant 1 : i32
        %shift_right_arithmetic3A_284 = vector.broadcast %shift_right_arithmetic3A : i32 to vector<16xi32>
        %shift_right_arithmetic3A_285 = arith.shrsi %bitcast3A, %shift_right_arithmetic3A_284 : vector<16xi32>
        %sub3A_286 = arith.constant 1597463174 : i32
        %sub3A_287 = vector.broadcast %sub3A_286 : i32 to vector<16xi32>
        %sub3A_288 = arith.subi %sub3A_287, %shift_right_arithmetic3A_285 : vector<16xi32>
        %bitcast3A_289 = vector.bitcast %sub3A_288 : vector<16xi32> to vector<16xf32>
        %mul3A_290 = arith.constant 5.006240e-01 : f32
        %mul3A_291 = vector.broadcast %mul3A_290 : f32 to vector<16xf32>
        %mul3A_292 = arith.mulf %mul3A_291, %max3A_283 : vector<16xf32>
        %mul3A_293 = arith.mulf %mul3A_292, %bitcast3A_289 : vector<16xf32>
        %mul3A_294 = arith.mulf %mul3A_293, %bitcast3A_289 : vector<16xf32>
        %sub3A_295 = arith.constant 1.50087893 : f32
        %sub3A_296 = vector.broadcast %sub3A_295 : f32 to vector<16xf32>
        %sub3A_297 = arith.subf %sub3A_296, %mul3A_294 : vector<16xf32>
        %mul3A_298 = arith.mulf %bitcast3A_289, %sub3A_297 : vector<16xf32>
        %mul3A_299 = arith.mulf %max3A_283, %mul3A_298 : vector<16xf32>
        %sub3A_300 = arith.constant 1.000000e-01 : f32
        %sub3A_301 = vector.broadcast %sub3A_300 : f32 to vector<16xf32>
        %sub3A_302 = arith.subf %sub3A_301, %mul3A_299 : vector<16xf32>
        %jit3A_303 = arith.constant 0.000000e+00 : f32
        %broadcast_in_dim3A_304 = vector.broadcast %jit3A_303 : f32 to vector<16xf32>
        %select_n3A_305 = arith.select %and3A_281, %sub3A_302, %broadcast_in_dim3A_304 : vector<16xi1>, vector<16xf32>
        %add3A_306 = arith.addf %while3A_252, %select_n3A_305 : vector<16xf32>
        %all_reduce_population_count3A = tpu.all_reduce %and3A_281 {dim = 0 : i64, kind = #tpu.reduction_kind<sum>} : vector<16xi1> -> vector<16xi32>
        %add3A_307 = arith.addi %while3A_253, %all_reduce_population_count3A : vector<16xi32>
        %sub3A_308 = arith.subf %gather3A_148, %get3A_257 : vector<16xf32>
        %sub3A_309 = arith.subf %gather3A_152, %get3A_261 : vector<16xf32>
        %sub3A_310 = arith.subf %gather3A_156, %get3A_265 : vector<16xf32>
        %mul3A_311 = arith.mulf %sub3A_308, %sub3A_308 : vector<16xf32>
        %mul3A_312 = arith.mulf %sub3A_309, %sub3A_309 : vector<16xf32>
        %add3A_313 = arith.addf %mul3A_311, %mul3A_312 : vector<16xf32>
        %mul3A_314 = arith.mulf %sub3A_310, %sub3A_310 : vector<16xf32>
        %add3A_315 = arith.addf %add3A_313, %mul3A_314 : vector<16xf32>
        %lt3A_316 = arith.constant 0.00999999977 : f32
        %lt3A_317 = vector.broadcast %lt3A_316 : f32 to vector<16xf32>
        %lt3A_318 = arith.cmpf olt, %add3A_315, %lt3A_317 : vector<16xf32>
        %and3A_319 = arith.andi %lt3A_318, %and3A_269 : vector<16xi1>
        %max3A_320 = arith.constant 9.99999968E-21 : f32
        %max3A_321 = vector.broadcast %max3A_320 : f32 to vector<16xf32>
        %max3A_322 = arith.maximumf %add3A_315, %max3A_321 : vector<16xf32>
        %bitcast3A_323 = vector.bitcast %max3A_322 : vector<16xf32> to vector<16xi32>
        %shift_right_arithmetic3A_324 = arith.constant 1 : i32
        %shift_right_arithmetic3A_325 = vector.broadcast %shift_right_arithmetic3A_324 : i32 to vector<16xi32>
        %shift_right_arithmetic3A_326 = arith.shrsi %bitcast3A_323, %shift_right_arithmetic3A_325 : vector<16xi32>
        %sub3A_327 = arith.constant 1597463174 : i32
        %sub3A_328 = vector.broadcast %sub3A_327 : i32 to vector<16xi32>
        %sub3A_329 = arith.subi %sub3A_328, %shift_right_arithmetic3A_326 : vector<16xi32>
        %bitcast3A_330 = vector.bitcast %sub3A_329 : vector<16xi32> to vector<16xf32>
        %mul3A_331 = arith.constant 5.006240e-01 : f32
        %mul3A_332 = vector.broadcast %mul3A_331 : f32 to vector<16xf32>
        %mul3A_333 = arith.mulf %mul3A_332, %max3A_322 : vector<16xf32>
        %mul3A_334 = arith.mulf %mul3A_333, %bitcast3A_330 : vector<16xf32>
        %mul3A_335 = arith.mulf %mul3A_334, %bitcast3A_330 : vector<16xf32>
        %sub3A_336 = arith.constant 1.50087893 : f32
        %sub3A_337 = vector.broadcast %sub3A_336 : f32 to vector<16xf32>
        %sub3A_338 = arith.subf %sub3A_337, %mul3A_335 : vector<16xf32>
        %mul3A_339 = arith.mulf %bitcast3A_330, %sub3A_338 : vector<16xf32>
        %mul3A_340 = arith.mulf %max3A_322, %mul3A_339 : vector<16xf32>
        %sub3A_341 = arith.constant 1.000000e-01 : f32
        %sub3A_342 = vector.broadcast %sub3A_341 : f32 to vector<16xf32>
        %sub3A_343 = arith.subf %sub3A_342, %mul3A_340 : vector<16xf32>
        %jit3A_344 = arith.constant 0.000000e+00 : f32
        %broadcast_in_dim3A_345 = vector.broadcast %jit3A_344 : f32 to vector<16xf32>
        %select_n3A_346 = arith.select %and3A_319, %sub3A_343, %broadcast_in_dim3A_345 : vector<16xi1>, vector<16xf32>
        %add3A_347 = arith.addf %add3A_306, %select_n3A_346 : vector<16xf32>
        %all_reduce_population_count3A_348 = tpu.all_reduce %and3A_319 {dim = 0 : i64, kind = #tpu.reduction_kind<sum>} : vector<16xi1> -> vector<16xi32>
        %add3A_349 = arith.addi %add3A_307, %all_reduce_population_count3A_348 : vector<16xi32>
        %sub3A_350 = arith.subf %gather3A_162, %get3A_257 : vector<16xf32>
        %sub3A_351 = arith.subf %gather3A_166, %get3A_261 : vector<16xf32>
        %sub3A_352 = arith.subf %gather3A_170, %get3A_265 : vector<16xf32>
        %mul3A_353 = arith.mulf %sub3A_350, %sub3A_350 : vector<16xf32>
        %mul3A_354 = arith.mulf %sub3A_351, %sub3A_351 : vector<16xf32>
        %add3A_355 = arith.addf %mul3A_353, %mul3A_354 : vector<16xf32>
        %mul3A_356 = arith.mulf %sub3A_352, %sub3A_352 : vector<16xf32>
        %add3A_357 = arith.addf %add3A_355, %mul3A_356 : vector<16xf32>
        %lt3A_358 = arith.constant 0.00999999977 : f32
        %lt3A_359 = vector.broadcast %lt3A_358 : f32 to vector<16xf32>
        %lt3A_360 = arith.cmpf olt, %add3A_357, %lt3A_359 : vector<16xf32>
        %and3A_361 = arith.andi %lt3A_360, %and3A_269 : vector<16xi1>
        %max3A_362 = arith.constant 9.99999968E-21 : f32
        %max3A_363 = vector.broadcast %max3A_362 : f32 to vector<16xf32>
        %max3A_364 = arith.maximumf %add3A_357, %max3A_363 : vector<16xf32>
        %bitcast3A_365 = vector.bitcast %max3A_364 : vector<16xf32> to vector<16xi32>
        %shift_right_arithmetic3A_366 = arith.constant 1 : i32
        %shift_right_arithmetic3A_367 = vector.broadcast %shift_right_arithmetic3A_366 : i32 to vector<16xi32>
        %shift_right_arithmetic3A_368 = arith.shrsi %bitcast3A_365, %shift_right_arithmetic3A_367 : vector<16xi32>
        %sub3A_369 = arith.constant 1597463174 : i32
        %sub3A_370 = vector.broadcast %sub3A_369 : i32 to vector<16xi32>
        %sub3A_371 = arith.subi %sub3A_370, %shift_right_arithmetic3A_368 : vector<16xi32>
        %bitcast3A_372 = vector.bitcast %sub3A_371 : vector<16xi32> to vector<16xf32>
        %mul3A_373 = arith.constant 5.006240e-01 : f32
        %mul3A_374 = vector.broadcast %mul3A_373 : f32 to vector<16xf32>
        %mul3A_375 = arith.mulf %mul3A_374, %max3A_364 : vector<16xf32>
        %mul3A_376 = arith.mulf %mul3A_375, %bitcast3A_372 : vector<16xf32>
        %mul3A_377 = arith.mulf %mul3A_376, %bitcast3A_372 : vector<16xf32>
        %sub3A_378 = arith.constant 1.50087893 : f32
        %sub3A_379 = vector.broadcast %sub3A_378 : f32 to vector<16xf32>
        %sub3A_380 = arith.subf %sub3A_379, %mul3A_377 : vector<16xf32>
        %mul3A_381 = arith.mulf %bitcast3A_372, %sub3A_380 : vector<16xf32>
        %mul3A_382 = arith.mulf %max3A_364, %mul3A_381 : vector<16xf32>
        %sub3A_383 = arith.constant 1.000000e-01 : f32
        %sub3A_384 = vector.broadcast %sub3A_383 : f32 to vector<16xf32>
        %sub3A_385 = arith.subf %sub3A_384, %mul3A_382 : vector<16xf32>
        %jit3A_386 = arith.constant 0.000000e+00 : f32
        %broadcast_in_dim3A_387 = vector.broadcast %jit3A_386 : f32 to vector<16xf32>
        %select_n3A_388 = arith.select %and3A_361, %sub3A_385, %broadcast_in_dim3A_387 : vector<16xi1>, vector<16xf32>
        %add3A_389 = arith.addf %add3A_347, %select_n3A_388 : vector<16xf32>
        %all_reduce_population_count3A_390 = tpu.all_reduce %and3A_361 {dim = 0 : i64, kind = #tpu.reduction_kind<sum>} : vector<16xi1> -> vector<16xi32>
        %add3A_391 = arith.addi %add3A_349, %all_reduce_population_count3A_390 : vector<16xi32>
        %sub3A_392 = arith.subf %gather3A_176, %get3A_257 : vector<16xf32>
        %sub3A_393 = arith.subf %gather3A_180, %get3A_261 : vector<16xf32>
        %sub3A_394 = arith.subf %gather3A_184, %get3A_265 : vector<16xf32>
        %mul3A_395 = arith.mulf %sub3A_392, %sub3A_392 : vector<16xf32>
        %mul3A_396 = arith.mulf %sub3A_393, %sub3A_393 : vector<16xf32>
        %add3A_397 = arith.addf %mul3A_395, %mul3A_396 : vector<16xf32>
        %mul3A_398 = arith.mulf %sub3A_394, %sub3A_394 : vector<16xf32>
        %add3A_399 = arith.addf %add3A_397, %mul3A_398 : vector<16xf32>
        %lt3A_400 = arith.constant 0.00999999977 : f32
        %lt3A_401 = vector.broadcast %lt3A_400 : f32 to vector<16xf32>
        %lt3A_402 = arith.cmpf olt, %add3A_399, %lt3A_401 : vector<16xf32>
        %and3A_403 = arith.andi %lt3A_402, %and3A_269 : vector<16xi1>
        %max3A_404 = arith.constant 9.99999968E-21 : f32
        %max3A_405 = vector.broadcast %max3A_404 : f32 to vector<16xf32>
        %max3A_406 = arith.maximumf %add3A_399, %max3A_405 : vector<16xf32>
        %bitcast3A_407 = vector.bitcast %max3A_406 : vector<16xf32> to vector<16xi32>
        %shift_right_arithmetic3A_408 = arith.constant 1 : i32
        %shift_right_arithmetic3A_409 = vector.broadcast %shift_right_arithmetic3A_408 : i32 to vector<16xi32>
        %shift_right_arithmetic3A_410 = arith.shrsi %bitcast3A_407, %shift_right_arithmetic3A_409 : vector<16xi32>
        %sub3A_411 = arith.constant 1597463174 : i32
        %sub3A_412 = vector.broadcast %sub3A_411 : i32 to vector<16xi32>
        %sub3A_413 = arith.subi %sub3A_412, %shift_right_arithmetic3A_410 : vector<16xi32>
        %bitcast3A_414 = vector.bitcast %sub3A_413 : vector<16xi32> to vector<16xf32>
        %mul3A_415 = arith.constant 5.006240e-01 : f32
        %mul3A_416 = vector.broadcast %mul3A_415 : f32 to vector<16xf32>
        %mul3A_417 = arith.mulf %mul3A_416, %max3A_406 : vector<16xf32>
        %mul3A_418 = arith.mulf %mul3A_417, %bitcast3A_414 : vector<16xf32>
        %mul3A_419 = arith.mulf %mul3A_418, %bitcast3A_414 : vector<16xf32>
        %sub3A_420 = arith.constant 1.50087893 : f32
        %sub3A_421 = vector.broadcast %sub3A_420 : f32 to vector<16xf32>
        %sub3A_422 = arith.subf %sub3A_421, %mul3A_419 : vector<16xf32>
        %mul3A_423 = arith.mulf %bitcast3A_414, %sub3A_422 : vector<16xf32>
        %mul3A_424 = arith.mulf %max3A_406, %mul3A_423 : vector<16xf32>
        %sub3A_425 = arith.constant 1.000000e-01 : f32
        %sub3A_426 = vector.broadcast %sub3A_425 : f32 to vector<16xf32>
        %sub3A_427 = arith.subf %sub3A_426, %mul3A_424 : vector<16xf32>
        %jit3A_428 = arith.constant 0.000000e+00 : f32
        %broadcast_in_dim3A_429 = vector.broadcast %jit3A_428 : f32 to vector<16xf32>
        %select_n3A_430 = arith.select %and3A_403, %sub3A_427, %broadcast_in_dim3A_429 : vector<16xi1>, vector<16xf32>
        %add3A_431 = arith.addf %add3A_389, %select_n3A_430 : vector<16xf32>
        %all_reduce_population_count3A_432 = tpu.all_reduce %and3A_403 {dim = 0 : i64, kind = #tpu.reduction_kind<sum>} : vector<16xi1> -> vector<16xi32>
        %add3A_433 = arith.addi %add3A_391, %all_reduce_population_count3A_432 : vector<16xi32>
        %sub3A_434 = arith.subf %gather3A_190, %get3A_257 : vector<16xf32>
        %sub3A_435 = arith.subf %gather3A_194, %get3A_261 : vector<16xf32>
        %sub3A_436 = arith.subf %gather3A_198, %get3A_265 : vector<16xf32>
        %mul3A_437 = arith.mulf %sub3A_434, %sub3A_434 : vector<16xf32>
        %mul3A_438 = arith.mulf %sub3A_435, %sub3A_435 : vector<16xf32>
        %add3A_439 = arith.addf %mul3A_437, %mul3A_438 : vector<16xf32>
        %mul3A_440 = arith.mulf %sub3A_436, %sub3A_436 : vector<16xf32>
        %add3A_441 = arith.addf %add3A_439, %mul3A_440 : vector<16xf32>
        %lt3A_442 = arith.constant 0.00999999977 : f32
        %lt3A_443 = vector.broadcast %lt3A_442 : f32 to vector<16xf32>
        %lt3A_444 = arith.cmpf olt, %add3A_441, %lt3A_443 : vector<16xf32>
        %and3A_445 = arith.andi %lt3A_444, %and3A_269 : vector<16xi1>
        %max3A_446 = arith.constant 9.99999968E-21 : f32
        %max3A_447 = vector.broadcast %max3A_446 : f32 to vector<16xf32>
        %max3A_448 = arith.maximumf %add3A_441, %max3A_447 : vector<16xf32>
        %bitcast3A_449 = vector.bitcast %max3A_448 : vector<16xf32> to vector<16xi32>
        %shift_right_arithmetic3A_450 = arith.constant 1 : i32
        %shift_right_arithmetic3A_451 = vector.broadcast %shift_right_arithmetic3A_450 : i32 to vector<16xi32>
        %shift_right_arithmetic3A_452 = arith.shrsi %bitcast3A_449, %shift_right_arithmetic3A_451 : vector<16xi32>
        %sub3A_453 = arith.constant 1597463174 : i32
        %sub3A_454 = vector.broadcast %sub3A_453 : i32 to vector<16xi32>
        %sub3A_455 = arith.subi %sub3A_454, %shift_right_arithmetic3A_452 : vector<16xi32>
        %bitcast3A_456 = vector.bitcast %sub3A_455 : vector<16xi32> to vector<16xf32>
        %mul3A_457 = arith.constant 5.006240e-01 : f32
        %mul3A_458 = vector.broadcast %mul3A_457 : f32 to vector<16xf32>
        %mul3A_459 = arith.mulf %mul3A_458, %max3A_448 : vector<16xf32>
        %mul3A_460 = arith.mulf %mul3A_459, %bitcast3A_456 : vector<16xf32>
        %mul3A_461 = arith.mulf %mul3A_460, %bitcast3A_456 : vector<16xf32>
        %sub3A_462 = arith.constant 1.50087893 : f32
        %sub3A_463 = vector.broadcast %sub3A_462 : f32 to vector<16xf32>
        %sub3A_464 = arith.subf %sub3A_463, %mul3A_461 : vector<16xf32>
        %mul3A_465 = arith.mulf %bitcast3A_456, %sub3A_464 : vector<16xf32>
        %mul3A_466 = arith.mulf %max3A_448, %mul3A_465 : vector<16xf32>
        %sub3A_467 = arith.constant 1.000000e-01 : f32
        %sub3A_468 = vector.broadcast %sub3A_467 : f32 to vector<16xf32>
        %sub3A_469 = arith.subf %sub3A_468, %mul3A_466 : vector<16xf32>
        %jit3A_470 = arith.constant 0.000000e+00 : f32
        %broadcast_in_dim3A_471 = vector.broadcast %jit3A_470 : f32 to vector<16xf32>
        %select_n3A_472 = arith.select %and3A_445, %sub3A_469, %broadcast_in_dim3A_471 : vector<16xi1>, vector<16xf32>
        %add3A_473 = arith.addf %add3A_431, %select_n3A_472 : vector<16xf32>
        %all_reduce_population_count3A_474 = tpu.all_reduce %and3A_445 {dim = 0 : i64, kind = #tpu.reduction_kind<sum>} : vector<16xi1> -> vector<16xi32>
        %add3A_475 = arith.addi %add3A_433, %all_reduce_population_count3A_474 : vector<16xi32>
        %sub3A_476 = arith.subf %gather3A_204, %get3A_257 : vector<16xf32>
        %sub3A_477 = arith.subf %gather3A_208, %get3A_261 : vector<16xf32>
        %sub3A_478 = arith.subf %gather3A_212, %get3A_265 : vector<16xf32>
        %mul3A_479 = arith.mulf %sub3A_476, %sub3A_476 : vector<16xf32>
        %mul3A_480 = arith.mulf %sub3A_477, %sub3A_477 : vector<16xf32>
        %add3A_481 = arith.addf %mul3A_479, %mul3A_480 : vector<16xf32>
        %mul3A_482 = arith.mulf %sub3A_478, %sub3A_478 : vector<16xf32>
        %add3A_483 = arith.addf %add3A_481, %mul3A_482 : vector<16xf32>
        %lt3A_484 = arith.constant 0.00999999977 : f32
        %lt3A_485 = vector.broadcast %lt3A_484 : f32 to vector<16xf32>
        %lt3A_486 = arith.cmpf olt, %add3A_483, %lt3A_485 : vector<16xf32>
        %and3A_487 = arith.andi %lt3A_486, %and3A_269 : vector<16xi1>
        %max3A_488 = arith.constant 9.99999968E-21 : f32
        %max3A_489 = vector.broadcast %max3A_488 : f32 to vector<16xf32>
        %max3A_490 = arith.maximumf %add3A_483, %max3A_489 : vector<16xf32>
        %bitcast3A_491 = vector.bitcast %max3A_490 : vector<16xf32> to vector<16xi32>
        %shift_right_arithmetic3A_492 = arith.constant 1 : i32
        %shift_right_arithmetic3A_493 = vector.broadcast %shift_right_arithmetic3A_492 : i32 to vector<16xi32>
        %shift_right_arithmetic3A_494 = arith.shrsi %bitcast3A_491, %shift_right_arithmetic3A_493 : vector<16xi32>
        %sub3A_495 = arith.constant 1597463174 : i32
        %sub3A_496 = vector.broadcast %sub3A_495 : i32 to vector<16xi32>
        %sub3A_497 = arith.subi %sub3A_496, %shift_right_arithmetic3A_494 : vector<16xi32>
        %bitcast3A_498 = vector.bitcast %sub3A_497 : vector<16xi32> to vector<16xf32>
        %mul3A_499 = arith.constant 5.006240e-01 : f32
        %mul3A_500 = vector.broadcast %mul3A_499 : f32 to vector<16xf32>
        %mul3A_501 = arith.mulf %mul3A_500, %max3A_490 : vector<16xf32>
        %mul3A_502 = arith.mulf %mul3A_501, %bitcast3A_498 : vector<16xf32>
        %mul3A_503 = arith.mulf %mul3A_502, %bitcast3A_498 : vector<16xf32>
        %sub3A_504 = arith.constant 1.50087893 : f32
        %sub3A_505 = vector.broadcast %sub3A_504 : f32 to vector<16xf32>
        %sub3A_506 = arith.subf %sub3A_505, %mul3A_503 : vector<16xf32>
        %mul3A_507 = arith.mulf %bitcast3A_498, %sub3A_506 : vector<16xf32>
        %mul3A_508 = arith.mulf %max3A_490, %mul3A_507 : vector<16xf32>
        %sub3A_509 = arith.constant 1.000000e-01 : f32
        %sub3A_510 = vector.broadcast %sub3A_509 : f32 to vector<16xf32>
        %sub3A_511 = arith.subf %sub3A_510, %mul3A_508 : vector<16xf32>
        %jit3A_512 = arith.constant 0.000000e+00 : f32
        %broadcast_in_dim3A_513 = vector.broadcast %jit3A_512 : f32 to vector<16xf32>
        %select_n3A_514 = arith.select %and3A_487, %sub3A_511, %broadcast_in_dim3A_513 : vector<16xi1>, vector<16xf32>
        %add3A_515 = arith.addf %add3A_473, %select_n3A_514 : vector<16xf32>
        %all_reduce_population_count3A_516 = tpu.all_reduce %and3A_487 {dim = 0 : i64, kind = #tpu.reduction_kind<sum>} : vector<16xi1> -> vector<16xi32>
        %add3A_517 = arith.addi %add3A_475, %all_reduce_population_count3A_516 : vector<16xi32>
        %sub3A_518 = arith.subf %gather3A_218, %get3A_257 : vector<16xf32>
        %sub3A_519 = arith.subf %gather3A_222, %get3A_261 : vector<16xf32>
        %sub3A_520 = arith.subf %gather3A_226, %get3A_265 : vector<16xf32>
        %mul3A_521 = arith.mulf %sub3A_518, %sub3A_518 : vector<16xf32>
        %mul3A_522 = arith.mulf %sub3A_519, %sub3A_519 : vector<16xf32>
        %add3A_523 = arith.addf %mul3A_521, %mul3A_522 : vector<16xf32>
        %mul3A_524 = arith.mulf %sub3A_520, %sub3A_520 : vector<16xf32>
        %add3A_525 = arith.addf %add3A_523, %mul3A_524 : vector<16xf32>
        %lt3A_526 = arith.constant 0.00999999977 : f32
        %lt3A_527 = vector.broadcast %lt3A_526 : f32 to vector<16xf32>
        %lt3A_528 = arith.cmpf olt, %add3A_525, %lt3A_527 : vector<16xf32>
        %and3A_529 = arith.andi %lt3A_528, %and3A_269 : vector<16xi1>
        %max3A_530 = arith.constant 9.99999968E-21 : f32
        %max3A_531 = vector.broadcast %max3A_530 : f32 to vector<16xf32>
        %max3A_532 = arith.maximumf %add3A_525, %max3A_531 : vector<16xf32>
        %bitcast3A_533 = vector.bitcast %max3A_532 : vector<16xf32> to vector<16xi32>
        %shift_right_arithmetic3A_534 = arith.constant 1 : i32
        %shift_right_arithmetic3A_535 = vector.broadcast %shift_right_arithmetic3A_534 : i32 to vector<16xi32>
        %shift_right_arithmetic3A_536 = arith.shrsi %bitcast3A_533, %shift_right_arithmetic3A_535 : vector<16xi32>
        %sub3A_537 = arith.constant 1597463174 : i32
        %sub3A_538 = vector.broadcast %sub3A_537 : i32 to vector<16xi32>
        %sub3A_539 = arith.subi %sub3A_538, %shift_right_arithmetic3A_536 : vector<16xi32>
        %bitcast3A_540 = vector.bitcast %sub3A_539 : vector<16xi32> to vector<16xf32>
        %mul3A_541 = arith.constant 5.006240e-01 : f32
        %mul3A_542 = vector.broadcast %mul3A_541 : f32 to vector<16xf32>
        %mul3A_543 = arith.mulf %mul3A_542, %max3A_532 : vector<16xf32>
        %mul3A_544 = arith.mulf %mul3A_543, %bitcast3A_540 : vector<16xf32>
        %mul3A_545 = arith.mulf %mul3A_544, %bitcast3A_540 : vector<16xf32>
        %sub3A_546 = arith.constant 1.50087893 : f32
        %sub3A_547 = vector.broadcast %sub3A_546 : f32 to vector<16xf32>
        %sub3A_548 = arith.subf %sub3A_547, %mul3A_545 : vector<16xf32>
        %mul3A_549 = arith.mulf %bitcast3A_540, %sub3A_548 : vector<16xf32>
        %mul3A_550 = arith.mulf %max3A_532, %mul3A_549 : vector<16xf32>
        %sub3A_551 = arith.constant 1.000000e-01 : f32
        %sub3A_552 = vector.broadcast %sub3A_551 : f32 to vector<16xf32>
        %sub3A_553 = arith.subf %sub3A_552, %mul3A_550 : vector<16xf32>
        %jit3A_554 = arith.constant 0.000000e+00 : f32
        %broadcast_in_dim3A_555 = vector.broadcast %jit3A_554 : f32 to vector<16xf32>
        %select_n3A_556 = arith.select %and3A_529, %sub3A_553, %broadcast_in_dim3A_555 : vector<16xi1>, vector<16xf32>
        %add3A_557 = arith.addf %add3A_515, %select_n3A_556 : vector<16xf32>
        %all_reduce_population_count3A_558 = tpu.all_reduce %and3A_529 {dim = 0 : i64, kind = #tpu.reduction_kind<sum>} : vector<16xi1> -> vector<16xi32>
        %add3A_559 = arith.addi %add3A_517, %all_reduce_population_count3A_558 : vector<16xi32>
        %sub3A_560 = arith.subf %gather3A_232, %get3A_257 : vector<16xf32>
        %sub3A_561 = arith.subf %gather3A_236, %get3A_261 : vector<16xf32>
        %sub3A_562 = arith.subf %gather3A_240, %get3A_265 : vector<16xf32>
        %mul3A_563 = arith.mulf %sub3A_560, %sub3A_560 : vector<16xf32>
        %mul3A_564 = arith.mulf %sub3A_561, %sub3A_561 : vector<16xf32>
        %add3A_565 = arith.addf %mul3A_563, %mul3A_564 : vector<16xf32>
        %mul3A_566 = arith.mulf %sub3A_562, %sub3A_562 : vector<16xf32>
        %add3A_567 = arith.addf %add3A_565, %mul3A_566 : vector<16xf32>
        %lt3A_568 = arith.constant 0.00999999977 : f32
        %lt3A_569 = vector.broadcast %lt3A_568 : f32 to vector<16xf32>
        %lt3A_570 = arith.cmpf olt, %add3A_567, %lt3A_569 : vector<16xf32>
        %and3A_571 = arith.andi %lt3A_570, %and3A_269 : vector<16xi1>
        %max3A_572 = arith.constant 9.99999968E-21 : f32
        %max3A_573 = vector.broadcast %max3A_572 : f32 to vector<16xf32>
        %max3A_574 = arith.maximumf %add3A_567, %max3A_573 : vector<16xf32>
        %bitcast3A_575 = vector.bitcast %max3A_574 : vector<16xf32> to vector<16xi32>
        %shift_right_arithmetic3A_576 = arith.constant 1 : i32
        %shift_right_arithmetic3A_577 = vector.broadcast %shift_right_arithmetic3A_576 : i32 to vector<16xi32>
        %shift_right_arithmetic3A_578 = arith.shrsi %bitcast3A_575, %shift_right_arithmetic3A_577 : vector<16xi32>
        %sub3A_579 = arith.constant 1597463174 : i32
        %sub3A_580 = vector.broadcast %sub3A_579 : i32 to vector<16xi32>
        %sub3A_581 = arith.subi %sub3A_580, %shift_right_arithmetic3A_578 : vector<16xi32>
        %bitcast3A_582 = vector.bitcast %sub3A_581 : vector<16xi32> to vector<16xf32>
        %mul3A_583 = arith.constant 5.006240e-01 : f32
        %mul3A_584 = vector.broadcast %mul3A_583 : f32 to vector<16xf32>
        %mul3A_585 = arith.mulf %mul3A_584, %max3A_574 : vector<16xf32>
        %mul3A_586 = arith.mulf %mul3A_585, %bitcast3A_582 : vector<16xf32>
        %mul3A_587 = arith.mulf %mul3A_586, %bitcast3A_582 : vector<16xf32>
        %sub3A_588 = arith.constant 1.50087893 : f32
        %sub3A_589 = vector.broadcast %sub3A_588 : f32 to vector<16xf32>
        %sub3A_590 = arith.subf %sub3A_589, %mul3A_587 : vector<16xf32>
        %mul3A_591 = arith.mulf %bitcast3A_582, %sub3A_590 : vector<16xf32>
        %mul3A_592 = arith.mulf %max3A_574, %mul3A_591 : vector<16xf32>
        %sub3A_593 = arith.constant 1.000000e-01 : f32
        %sub3A_594 = vector.broadcast %sub3A_593 : f32 to vector<16xf32>
        %sub3A_595 = arith.subf %sub3A_594, %mul3A_592 : vector<16xf32>
        %jit3A_596 = arith.constant 0.000000e+00 : f32
        %broadcast_in_dim3A_597 = vector.broadcast %jit3A_596 : f32 to vector<16xf32>
        %select_n3A_598 = arith.select %and3A_571, %sub3A_595, %broadcast_in_dim3A_597 : vector<16xi1>, vector<16xf32>
        %add3A_599 = arith.addf %add3A_557, %select_n3A_598 : vector<16xf32>
        %all_reduce_population_count3A_600 = tpu.all_reduce %and3A_571 {dim = 0 : i64, kind = #tpu.reduction_kind<sum>} : vector<16xi1> -> vector<16xi32>
        %add3A_601 = arith.addi %add3A_559, %all_reduce_population_count3A_600 : vector<16xi32>
        %add3A_602 = arith.constant 16 : i32
        %add3A_603 = arith.addi %mul3A_256, %add3A_602 : i32
        %add3A_604 = arith.constant 16 : i32
        %add3A_605 = vector.broadcast %add3A_604 : i32 to vector<16xi32>
        %add3A_606 = arith.addi %while3A_254, %add3A_605 : vector<16xi32>
        %get3A_607 = arith.index_cast %add3A_603 : i32 to index
        %get3A_608 = tpu.vector_load %arg6[%get3A_607] {strides = array<i32>} : memref<49152xf32, #tpu.memory_space<vmem>>, vector<16xf32>,
        %add3A_609 = arith.constant 16384 : i32
        %add3A_610 = arith.addi %add3A_609, %add3A_603 : i32
        %get3A_611 = arith.index_cast %add3A_610 : i32 to index
        %get3A_612 = tpu.vector_load %arg6[%get3A_611] {strides = array<i32>} : memref<49152xf32, #tpu.memory_space<vmem>>, vector<16xf32>,
        %add3A_613 = arith.constant 32768 : i32
        %add3A_614 = arith.addi %add3A_613, %add3A_603 : i32
        %get3A_615 = arith.index_cast %add3A_614 : i32 to index
        %get3A_616 = tpu.vector_load %arg6[%get3A_615] {strides = array<i32>} : memref<49152xf32, #tpu.memory_space<vmem>>, vector<16xf32>,
        %gt3A_617 = arith.constant 0 : i32
        %gt3A_618 = vector.broadcast %gt3A_617 : i32 to vector<16xi32>
        %gt3A_619 = arith.cmpi sgt, %add3A_606, %gt3A_618 : vector<16xi32>
        %lt3A_620 = arith.cmpi slt, %add3A_606, %gather3A : vector<16xi32>
        %and3A_621 = arith.andi %gt3A_619, %lt3A_620 : vector<16xi1>
        %sub3A_622 = arith.subf %gather3A_134, %get3A_608 : vector<16xf32>
        %sub3A_623 = arith.subf %gather3A_138, %get3A_612 : vector<16xf32>
        %sub3A_624 = arith.subf %gather3A_142, %get3A_616 : vector<16xf32>
        %mul3A_625 = arith.mulf %sub3A_622, %sub3A_622 : vector<16xf32>
        %mul3A_626 = arith.mulf %sub3A_623, %sub3A_623 : vector<16xf32>
        %add3A_627 = arith.addf %mul3A_625, %mul3A_626 : vector<16xf32>
        %mul3A_628 = arith.mulf %sub3A_624, %sub3A_624 : vector<16xf32>
        %add3A_629 = arith.addf %add3A_627, %mul3A_628 : vector<16xf32>
        %lt3A_630 = arith.constant 0.00999999977 : f32
        %lt3A_631 = vector.broadcast %lt3A_630 : f32 to vector<16xf32>
        %lt3A_632 = arith.cmpf olt, %add3A_629, %lt3A_631 : vector<16xf32>
        %and3A_633 = arith.andi %lt3A_632, %and3A_621 : vector<16xi1>
        %max3A_634 = arith.constant 9.99999968E-21 : f32
        %max3A_635 = vector.broadcast %max3A_634 : f32 to vector<16xf32>
        %max3A_636 = arith.maximumf %add3A_629, %max3A_635 : vector<16xf32>
        %bitcast3A_637 = vector.bitcast %max3A_636 : vector<16xf32> to vector<16xi32>
        %shift_right_arithmetic3A_638 = arith.constant 1 : i32
        %shift_right_arithmetic3A_639 = vector.broadcast %shift_right_arithmetic3A_638 : i32 to vector<16xi32>
        %shift_right_arithmetic3A_640 = arith.shrsi %bitcast3A_637, %shift_right_arithmetic3A_639 : vector<16xi32>
        %sub3A_641 = arith.constant 1597463174 : i32
        %sub3A_642 = vector.broadcast %sub3A_641 : i32 to vector<16xi32>
        %sub3A_643 = arith.subi %sub3A_642, %shift_right_arithmetic3A_640 : vector<16xi32>
        %bitcast3A_644 = vector.bitcast %sub3A_643 : vector<16xi32> to vector<16xf32>
        %mul3A_645 = arith.constant 5.006240e-01 : f32
        %mul3A_646 = vector.broadcast %mul3A_645 : f32 to vector<16xf32>
        %mul3A_647 = arith.mulf %mul3A_646, %max3A_636 : vector<16xf32>
        %mul3A_648 = arith.mulf %mul3A_647, %bitcast3A_644 : vector<16xf32>
        %mul3A_649 = arith.mulf %mul3A_648, %bitcast3A_644 : vector<16xf32>
        %sub3A_650 = arith.constant 1.50087893 : f32
        %sub3A_651 = vector.broadcast %sub3A_650 : f32 to vector<16xf32>
        %sub3A_652 = arith.subf %sub3A_651, %mul3A_649 : vector<16xf32>
        %mul3A_653 = arith.mulf %bitcast3A_644, %sub3A_652 : vector<16xf32>
        %mul3A_654 = arith.mulf %max3A_636, %mul3A_653 : vector<16xf32>
        %sub3A_655 = arith.constant 1.000000e-01 : f32
        %sub3A_656 = vector.broadcast %sub3A_655 : f32 to vector<16xf32>
        %sub3A_657 = arith.subf %sub3A_656, %mul3A_654 : vector<16xf32>
        %jit3A_658 = arith.constant 0.000000e+00 : f32
        %broadcast_in_dim3A_659 = vector.broadcast %jit3A_658 : f32 to vector<16xf32>
        %select_n3A_660 = arith.select %and3A_633, %sub3A_657, %broadcast_in_dim3A_659 : vector<16xi1>, vector<16xf32>
        %add3A_661 = arith.addf %add3A_599, %select_n3A_660 : vector<16xf32>
        %all_reduce_population_count3A_662 = tpu.all_reduce %and3A_633 {dim = 0 : i64, kind = #tpu.reduction_kind<sum>} : vector<16xi1> -> vector<16xi32>
        %add3A_663 = arith.addi %add3A_601, %all_reduce_population_count3A_662 : vector<16xi32>
        %sub3A_664 = arith.subf %gather3A_148, %get3A_608 : vector<16xf32>
        %sub3A_665 = arith.subf %gather3A_152, %get3A_612 : vector<16xf32>
        %sub3A_666 = arith.subf %gather3A_156, %get3A_616 : vector<16xf32>
        %mul3A_667 = arith.mulf %sub3A_664, %sub3A_664 : vector<16xf32>
        %mul3A_668 = arith.mulf %sub3A_665, %sub3A_665 : vector<16xf32>
        %add3A_669 = arith.addf %mul3A_667, %mul3A_668 : vector<16xf32>
        %mul3A_670 = arith.mulf %sub3A_666, %sub3A_666 : vector<16xf32>
        %add3A_671 = arith.addf %add3A_669, %mul3A_670 : vector<16xf32>
        %lt3A_672 = arith.constant 0.00999999977 : f32
        %lt3A_673 = vector.broadcast %lt3A_672 : f32 to vector<16xf32>
        %lt3A_674 = arith.cmpf olt, %add3A_671, %lt3A_673 : vector<16xf32>
        %and3A_675 = arith.andi %lt3A_674, %and3A_621 : vector<16xi1>
        %max3A_676 = arith.constant 9.99999968E-21 : f32
        %max3A_677 = vector.broadcast %max3A_676 : f32 to vector<16xf32>
        %max3A_678 = arith.maximumf %add3A_671, %max3A_677 : vector<16xf32>
        %bitcast3A_679 = vector.bitcast %max3A_678 : vector<16xf32> to vector<16xi32>
        %shift_right_arithmetic3A_680 = arith.constant 1 : i32
        %shift_right_arithmetic3A_681 = vector.broadcast %shift_right_arithmetic3A_680 : i32 to vector<16xi32>
        %shift_right_arithmetic3A_682 = arith.shrsi %bitcast3A_679, %shift_right_arithmetic3A_681 : vector<16xi32>
        %sub3A_683 = arith.constant 1597463174 : i32
        %sub3A_684 = vector.broadcast %sub3A_683 : i32 to vector<16xi32>
        %sub3A_685 = arith.subi %sub3A_684, %shift_right_arithmetic3A_682 : vector<16xi32>
        %bitcast3A_686 = vector.bitcast %sub3A_685 : vector<16xi32> to vector<16xf32>
        %mul3A_687 = arith.constant 5.006240e-01 : f32
        %mul3A_688 = vector.broadcast %mul3A_687 : f32 to vector<16xf32>
        %mul3A_689 = arith.mulf %mul3A_688, %max3A_678 : vector<16xf32>
        %mul3A_690 = arith.mulf %mul3A_689, %bitcast3A_686 : vector<16xf32>
        %mul3A_691 = arith.mulf %mul3A_690, %bitcast3A_686 : vector<16xf32>
        %sub3A_692 = arith.constant 1.50087893 : f32
        %sub3A_693 = vector.broadcast %sub3A_692 : f32 to vector<16xf32>
        %sub3A_694 = arith.subf %sub3A_693, %mul3A_691 : vector<16xf32>
        %mul3A_695 = arith.mulf %bitcast3A_686, %sub3A_694 : vector<16xf32>
        %mul3A_696 = arith.mulf %max3A_678, %mul3A_695 : vector<16xf32>
        %sub3A_697 = arith.constant 1.000000e-01 : f32
        %sub3A_698 = vector.broadcast %sub3A_697 : f32 to vector<16xf32>
        %sub3A_699 = arith.subf %sub3A_698, %mul3A_696 : vector<16xf32>
        %jit3A_700 = arith.constant 0.000000e+00 : f32
        %broadcast_in_dim3A_701 = vector.broadcast %jit3A_700 : f32 to vector<16xf32>
        %select_n3A_702 = arith.select %and3A_675, %sub3A_699, %broadcast_in_dim3A_701 : vector<16xi1>, vector<16xf32>
        %add3A_703 = arith.addf %add3A_661, %select_n3A_702 : vector<16xf32>
        %all_reduce_population_count3A_704 = tpu.all_reduce %and3A_675 {dim = 0 : i64, kind = #tpu.reduction_kind<sum>} : vector<16xi1> -> vector<16xi32>
        %add3A_705 = arith.addi %add3A_663, %all_reduce_population_count3A_704 : vector<16xi32>
        %sub3A_706 = arith.subf %gather3A_162, %get3A_608 : vector<16xf32>
        %sub3A_707 = arith.subf %gather3A_166, %get3A_612 : vector<16xf32>
        %sub3A_708 = arith.subf %gather3A_170, %get3A_616 : vector<16xf32>
        %mul3A_709 = arith.mulf %sub3A_706, %sub3A_706 : vector<16xf32>
        %mul3A_710 = arith.mulf %sub3A_707, %sub3A_707 : vector<16xf32>
        %add3A_711 = arith.addf %mul3A_709, %mul3A_710 : vector<16xf32>
        %mul3A_712 = arith.mulf %sub3A_708, %sub3A_708 : vector<16xf32>
        %add3A_713 = arith.addf %add3A_711, %mul3A_712 : vector<16xf32>
        %lt3A_714 = arith.constant 0.00999999977 : f32
        %lt3A_715 = vector.broadcast %lt3A_714 : f32 to vector<16xf32>
        %lt3A_716 = arith.cmpf olt, %add3A_713, %lt3A_715 : vector<16xf32>
        %and3A_717 = arith.andi %lt3A_716, %and3A_621 : vector<16xi1>
        %max3A_718 = arith.constant 9.99999968E-21 : f32
        %max3A_719 = vector.broadcast %max3A_718 : f32 to vector<16xf32>
        %max3A_720 = arith.maximumf %add3A_713, %max3A_719 : vector<16xf32>
        %bitcast3A_721 = vector.bitcast %max3A_720 : vector<16xf32> to vector<16xi32>
        %shift_right_arithmetic3A_722 = arith.constant 1 : i32
        %shift_right_arithmetic3A_723 = vector.broadcast %shift_right_arithmetic3A_722 : i32 to vector<16xi32>
        %shift_right_arithmetic3A_724 = arith.shrsi %bitcast3A_721, %shift_right_arithmetic3A_723 : vector<16xi32>
        %sub3A_725 = arith.constant 1597463174 : i32
        %sub3A_726 = vector.broadcast %sub3A_725 : i32 to vector<16xi32>
        %sub3A_727 = arith.subi %sub3A_726, %shift_right_arithmetic3A_724 : vector<16xi32>
        %bitcast3A_728 = vector.bitcast %sub3A_727 : vector<16xi32> to vector<16xf32>
        %mul3A_729 = arith.constant 5.006240e-01 : f32
        %mul3A_730 = vector.broadcast %mul3A_729 : f32 to vector<16xf32>
        %mul3A_731 = arith.mulf %mul3A_730, %max3A_720 : vector<16xf32>
        %mul3A_732 = arith.mulf %mul3A_731, %bitcast3A_728 : vector<16xf32>
        %mul3A_733 = arith.mulf %mul3A_732, %bitcast3A_728 : vector<16xf32>
        %sub3A_734 = arith.constant 1.50087893 : f32
        %sub3A_735 = vector.broadcast %sub3A_734 : f32 to vector<16xf32>
        %sub3A_736 = arith.subf %sub3A_735, %mul3A_733 : vector<16xf32>
        %mul3A_737 = arith.mulf %bitcast3A_728, %sub3A_736 : vector<16xf32>
        %mul3A_738 = arith.mulf %max3A_720, %mul3A_737 : vector<16xf32>
        %sub3A_739 = arith.constant 1.000000e-01 : f32
        %sub3A_740 = vector.broadcast %sub3A_739 : f32 to vector<16xf32>
        %sub3A_741 = arith.subf %sub3A_740, %mul3A_738 : vector<16xf32>
        %jit3A_742 = arith.constant 0.000000e+00 : f32
        %broadcast_in_dim3A_743 = vector.broadcast %jit3A_742 : f32 to vector<16xf32>
        %select_n3A_744 = arith.select %and3A_717, %sub3A_741, %broadcast_in_dim3A_743 : vector<16xi1>, vector<16xf32>
        %add3A_745 = arith.addf %add3A_703, %select_n3A_744 : vector<16xf32>
        %all_reduce_population_count3A_746 = tpu.all_reduce %and3A_717 {dim = 0 : i64, kind = #tpu.reduction_kind<sum>} : vector<16xi1> -> vector<16xi32>
        %add3A_747 = arith.addi %add3A_705, %all_reduce_population_count3A_746 : vector<16xi32>
        %sub3A_748 = arith.subf %gather3A_176, %get3A_608 : vector<16xf32>
        %sub3A_749 = arith.subf %gather3A_180, %get3A_612 : vector<16xf32>
        %sub3A_750 = arith.subf %gather3A_184, %get3A_616 : vector<16xf32>
        %mul3A_751 = arith.mulf %sub3A_748, %sub3A_748 : vector<16xf32>
        %mul3A_752 = arith.mulf %sub3A_749, %sub3A_749 : vector<16xf32>
        %add3A_753 = arith.addf %mul3A_751, %mul3A_752 : vector<16xf32>
        %mul3A_754 = arith.mulf %sub3A_750, %sub3A_750 : vector<16xf32>
        %add3A_755 = arith.addf %add3A_753, %mul3A_754 : vector<16xf32>
        %lt3A_756 = arith.constant 0.00999999977 : f32
        %lt3A_757 = vector.broadcast %lt3A_756 : f32 to vector<16xf32>
        %lt3A_758 = arith.cmpf olt, %add3A_755, %lt3A_757 : vector<16xf32>
        %and3A_759 = arith.andi %lt3A_758, %and3A_621 : vector<16xi1>
        %max3A_760 = arith.constant 9.99999968E-21 : f32
        %max3A_761 = vector.broadcast %max3A_760 : f32 to vector<16xf32>
        %max3A_762 = arith.maximumf %add3A_755, %max3A_761 : vector<16xf32>
        %bitcast3A_763 = vector.bitcast %max3A_762 : vector<16xf32> to vector<16xi32>
        %shift_right_arithmetic3A_764 = arith.constant 1 : i32
        %shift_right_arithmetic3A_765 = vector.broadcast %shift_right_arithmetic3A_764 : i32 to vector<16xi32>
        %shift_right_arithmetic3A_766 = arith.shrsi %bitcast3A_763, %shift_right_arithmetic3A_765 : vector<16xi32>
        %sub3A_767 = arith.constant 1597463174 : i32
        %sub3A_768 = vector.broadcast %sub3A_767 : i32 to vector<16xi32>
        %sub3A_769 = arith.subi %sub3A_768, %shift_right_arithmetic3A_766 : vector<16xi32>
        %bitcast3A_770 = vector.bitcast %sub3A_769 : vector<16xi32> to vector<16xf32>
        %mul3A_771 = arith.constant 5.006240e-01 : f32
        %mul3A_772 = vector.broadcast %mul3A_771 : f32 to vector<16xf32>
        %mul3A_773 = arith.mulf %mul3A_772, %max3A_762 : vector<16xf32>
        %mul3A_774 = arith.mulf %mul3A_773, %bitcast3A_770 : vector<16xf32>
        %mul3A_775 = arith.mulf %mul3A_774, %bitcast3A_770 : vector<16xf32>
        %sub3A_776 = arith.constant 1.50087893 : f32
        %sub3A_777 = vector.broadcast %sub3A_776 : f32 to vector<16xf32>
        %sub3A_778 = arith.subf %sub3A_777, %mul3A_775 : vector<16xf32>
        %mul3A_779 = arith.mulf %bitcast3A_770, %sub3A_778 : vector<16xf32>
        %mul3A_780 = arith.mulf %max3A_762, %mul3A_779 : vector<16xf32>
        %sub3A_781 = arith.constant 1.000000e-01 : f32
        %sub3A_782 = vector.broadcast %sub3A_781 : f32 to vector<16xf32>
        %sub3A_783 = arith.subf %sub3A_782, %mul3A_780 : vector<16xf32>
        %jit3A_784 = arith.constant 0.000000e+00 : f32
        %broadcast_in_dim3A_785 = vector.broadcast %jit3A_784 : f32 to vector<16xf32>
        %select_n3A_786 = arith.select %and3A_759, %sub3A_783, %broadcast_in_dim3A_785 : vector<16xi1>, vector<16xf32>
        %add3A_787 = arith.addf %add3A_745, %select_n3A_786 : vector<16xf32>
        %all_reduce_population_count3A_788 = tpu.all_reduce %and3A_759 {dim = 0 : i64, kind = #tpu.reduction_kind<sum>} : vector<16xi1> -> vector<16xi32>
        %add3A_789 = arith.addi %add3A_747, %all_reduce_population_count3A_788 : vector<16xi32>
        %sub3A_790 = arith.subf %gather3A_190, %get3A_608 : vector<16xf32>
        %sub3A_791 = arith.subf %gather3A_194, %get3A_612 : vector<16xf32>
        %sub3A_792 = arith.subf %gather3A_198, %get3A_616 : vector<16xf32>
        %mul3A_793 = arith.mulf %sub3A_790, %sub3A_790 : vector<16xf32>
        %mul3A_794 = arith.mulf %sub3A_791, %sub3A_791 : vector<16xf32>
        %add3A_795 = arith.addf %mul3A_793, %mul3A_794 : vector<16xf32>
        %mul3A_796 = arith.mulf %sub3A_792, %sub3A_792 : vector<16xf32>
        %add3A_797 = arith.addf %add3A_795, %mul3A_796 : vector<16xf32>
        %lt3A_798 = arith.constant 0.00999999977 : f32
        %lt3A_799 = vector.broadcast %lt3A_798 : f32 to vector<16xf32>
        %lt3A_800 = arith.cmpf olt, %add3A_797, %lt3A_799 : vector<16xf32>
        %and3A_801 = arith.andi %lt3A_800, %and3A_621 : vector<16xi1>
        %max3A_802 = arith.constant 9.99999968E-21 : f32
        %max3A_803 = vector.broadcast %max3A_802 : f32 to vector<16xf32>
        %max3A_804 = arith.maximumf %add3A_797, %max3A_803 : vector<16xf32>
        %bitcast3A_805 = vector.bitcast %max3A_804 : vector<16xf32> to vector<16xi32>
        %shift_right_arithmetic3A_806 = arith.constant 1 : i32
        %shift_right_arithmetic3A_807 = vector.broadcast %shift_right_arithmetic3A_806 : i32 to vector<16xi32>
        %shift_right_arithmetic3A_808 = arith.shrsi %bitcast3A_805, %shift_right_arithmetic3A_807 : vector<16xi32>
        %sub3A_809 = arith.constant 1597463174 : i32
        %sub3A_810 = vector.broadcast %sub3A_809 : i32 to vector<16xi32>
        %sub3A_811 = arith.subi %sub3A_810, %shift_right_arithmetic3A_808 : vector<16xi32>
        %bitcast3A_812 = vector.bitcast %sub3A_811 : vector<16xi32> to vector<16xf32>
        %mul3A_813 = arith.constant 5.006240e-01 : f32
        %mul3A_814 = vector.broadcast %mul3A_813 : f32 to vector<16xf32>
        %mul3A_815 = arith.mulf %mul3A_814, %max3A_804 : vector<16xf32>
        %mul3A_816 = arith.mulf %mul3A_815, %bitcast3A_812 : vector<16xf32>
        %mul3A_817 = arith.mulf %mul3A_816, %bitcast3A_812 : vector<16xf32>
        %sub3A_818 = arith.constant 1.50087893 : f32
        %sub3A_819 = vector.broadcast %sub3A_818 : f32 to vector<16xf32>
        %sub3A_820 = arith.subf %sub3A_819, %mul3A_817 : vector<16xf32>
        %mul3A_821 = arith.mulf %bitcast3A_812, %sub3A_820 : vector<16xf32>
        %mul3A_822 = arith.mulf %max3A_804, %mul3A_821 : vector<16xf32>
        %sub3A_823 = arith.constant 1.000000e-01 : f32
        %sub3A_824 = vector.broadcast %sub3A_823 : f32 to vector<16xf32>
        %sub3A_825 = arith.subf %sub3A_824, %mul3A_822 : vector<16xf32>
        %jit3A_826 = arith.constant 0.000000e+00 : f32
        %broadcast_in_dim3A_827 = vector.broadcast %jit3A_826 : f32 to vector<16xf32>
        %select_n3A_828 = arith.select %and3A_801, %sub3A_825, %broadcast_in_dim3A_827 : vector<16xi1>, vector<16xf32>
        %add3A_829 = arith.addf %add3A_787, %select_n3A_828 : vector<16xf32>
        %all_reduce_population_count3A_830 = tpu.all_reduce %and3A_801 {dim = 0 : i64, kind = #tpu.reduction_kind<sum>} : vector<16xi1> -> vector<16xi32>
        %add3A_831 = arith.addi %add3A_789, %all_reduce_population_count3A_830 : vector<16xi32>
        %sub3A_832 = arith.subf %gather3A_204, %get3A_608 : vector<16xf32>
        %sub3A_833 = arith.subf %gather3A_208, %get3A_612 : vector<16xf32>
        %sub3A_834 = arith.subf %gather3A_212, %get3A_616 : vector<16xf32>
        %mul3A_835 = arith.mulf %sub3A_832, %sub3A_832 : vector<16xf32>
        %mul3A_836 = arith.mulf %sub3A_833, %sub3A_833 : vector<16xf32>
        %add3A_837 = arith.addf %mul3A_835, %mul3A_836 : vector<16xf32>
        %mul3A_838 = arith.mulf %sub3A_834, %sub3A_834 : vector<16xf32>
        %add3A_839 = arith.addf %add3A_837, %mul3A_838 : vector<16xf32>
        %lt3A_840 = arith.constant 0.00999999977 : f32
        %lt3A_841 = vector.broadcast %lt3A_840 : f32 to vector<16xf32>
        %lt3A_842 = arith.cmpf olt, %add3A_839, %lt3A_841 : vector<16xf32>
        %and3A_843 = arith.andi %lt3A_842, %and3A_621 : vector<16xi1>
        %max3A_844 = arith.constant 9.99999968E-21 : f32
        %max3A_845 = vector.broadcast %max3A_844 : f32 to vector<16xf32>
        %max3A_846 = arith.maximumf %add3A_839, %max3A_845 : vector<16xf32>
        %bitcast3A_847 = vector.bitcast %max3A_846 : vector<16xf32> to vector<16xi32>
        %shift_right_arithmetic3A_848 = arith.constant 1 : i32
        %shift_right_arithmetic3A_849 = vector.broadcast %shift_right_arithmetic3A_848 : i32 to vector<16xi32>
        %shift_right_arithmetic3A_850 = arith.shrsi %bitcast3A_847, %shift_right_arithmetic3A_849 : vector<16xi32>
        %sub3A_851 = arith.constant 1597463174 : i32
        %sub3A_852 = vector.broadcast %sub3A_851 : i32 to vector<16xi32>
        %sub3A_853 = arith.subi %sub3A_852, %shift_right_arithmetic3A_850 : vector<16xi32>
        %bitcast3A_854 = vector.bitcast %sub3A_853 : vector<16xi32> to vector<16xf32>
        %mul3A_855 = arith.constant 5.006240e-01 : f32
        %mul3A_856 = vector.broadcast %mul3A_855 : f32 to vector<16xf32>
        %mul3A_857 = arith.mulf %mul3A_856, %max3A_846 : vector<16xf32>
        %mul3A_858 = arith.mulf %mul3A_857, %bitcast3A_854 : vector<16xf32>
        %mul3A_859 = arith.mulf %mul3A_858, %bitcast3A_854 : vector<16xf32>
        %sub3A_860 = arith.constant 1.50087893 : f32
        %sub3A_861 = vector.broadcast %sub3A_860 : f32 to vector<16xf32>
        %sub3A_862 = arith.subf %sub3A_861, %mul3A_859 : vector<16xf32>
        %mul3A_863 = arith.mulf %bitcast3A_854, %sub3A_862 : vector<16xf32>
        %mul3A_864 = arith.mulf %max3A_846, %mul3A_863 : vector<16xf32>
        %sub3A_865 = arith.constant 1.000000e-01 : f32
        %sub3A_866 = vector.broadcast %sub3A_865 : f32 to vector<16xf32>
        %sub3A_867 = arith.subf %sub3A_866, %mul3A_864 : vector<16xf32>
        %jit3A_868 = arith.constant 0.000000e+00 : f32
        %broadcast_in_dim3A_869 = vector.broadcast %jit3A_868 : f32 to vector<16xf32>
        %select_n3A_870 = arith.select %and3A_843, %sub3A_867, %broadcast_in_dim3A_869 : vector<16xi1>, vector<16xf32>
        %add3A_871 = arith.addf %add3A_829, %select_n3A_870 : vector<16xf32>
        %all_reduce_population_count3A_872 = tpu.all_reduce %and3A_843 {dim = 0 : i64, kind = #tpu.reduction_kind<sum>} : vector<16xi1> -> vector<16xi32>
        %add3A_873 = arith.addi %add3A_831, %all_reduce_population_count3A_872 : vector<16xi32>
        %sub3A_874 = arith.subf %gather3A_218, %get3A_608 : vector<16xf32>
        %sub3A_875 = arith.subf %gather3A_222, %get3A_612 : vector<16xf32>
        %sub3A_876 = arith.subf %gather3A_226, %get3A_616 : vector<16xf32>
        %mul3A_877 = arith.mulf %sub3A_874, %sub3A_874 : vector<16xf32>
        %mul3A_878 = arith.mulf %sub3A_875, %sub3A_875 : vector<16xf32>
        %add3A_879 = arith.addf %mul3A_877, %mul3A_878 : vector<16xf32>
        %mul3A_880 = arith.mulf %sub3A_876, %sub3A_876 : vector<16xf32>
        %add3A_881 = arith.addf %add3A_879, %mul3A_880 : vector<16xf32>
        %lt3A_882 = arith.constant 0.00999999977 : f32
        %lt3A_883 = vector.broadcast %lt3A_882 : f32 to vector<16xf32>
        %lt3A_884 = arith.cmpf olt, %add3A_881, %lt3A_883 : vector<16xf32>
        %and3A_885 = arith.andi %lt3A_884, %and3A_621 : vector<16xi1>
        %max3A_886 = arith.constant 9.99999968E-21 : f32
        %max3A_887 = vector.broadcast %max3A_886 : f32 to vector<16xf32>
        %max3A_888 = arith.maximumf %add3A_881, %max3A_887 : vector<16xf32>
        %bitcast3A_889 = vector.bitcast %max3A_888 : vector<16xf32> to vector<16xi32>
        %shift_right_arithmetic3A_890 = arith.constant 1 : i32
        %shift_right_arithmetic3A_891 = vector.broadcast %shift_right_arithmetic3A_890 : i32 to vector<16xi32>
        %shift_right_arithmetic3A_892 = arith.shrsi %bitcast3A_889, %shift_right_arithmetic3A_891 : vector<16xi32>
        %sub3A_893 = arith.constant 1597463174 : i32
        %sub3A_894 = vector.broadcast %sub3A_893 : i32 to vector<16xi32>
        %sub3A_895 = arith.subi %sub3A_894, %shift_right_arithmetic3A_892 : vector<16xi32>
        %bitcast3A_896 = vector.bitcast %sub3A_895 : vector<16xi32> to vector<16xf32>
        %mul3A_897 = arith.constant 5.006240e-01 : f32
        %mul3A_898 = vector.broadcast %mul3A_897 : f32 to vector<16xf32>
        %mul3A_899 = arith.mulf %mul3A_898, %max3A_888 : vector<16xf32>
        %mul3A_900 = arith.mulf %mul3A_899, %bitcast3A_896 : vector<16xf32>
        %mul3A_901 = arith.mulf %mul3A_900, %bitcast3A_896 : vector<16xf32>
        %sub3A_902 = arith.constant 1.50087893 : f32
        %sub3A_903 = vector.broadcast %sub3A_902 : f32 to vector<16xf32>
        %sub3A_904 = arith.subf %sub3A_903, %mul3A_901 : vector<16xf32>
        %mul3A_905 = arith.mulf %bitcast3A_896, %sub3A_904 : vector<16xf32>
        %mul3A_906 = arith.mulf %max3A_888, %mul3A_905 : vector<16xf32>
        %sub3A_907 = arith.constant 1.000000e-01 : f32
        %sub3A_908 = vector.broadcast %sub3A_907 : f32 to vector<16xf32>
        %sub3A_909 = arith.subf %sub3A_908, %mul3A_906 : vector<16xf32>
        %jit3A_910 = arith.constant 0.000000e+00 : f32
        %broadcast_in_dim3A_911 = vector.broadcast %jit3A_910 : f32 to vector<16xf32>
        %select_n3A_912 = arith.select %and3A_885, %sub3A_909, %broadcast_in_dim3A_911 : vector<16xi1>, vector<16xf32>
        %add3A_913 = arith.addf %add3A_871, %select_n3A_912 : vector<16xf32>
        %all_reduce_population_count3A_914 = tpu.all_reduce %and3A_885 {dim = 0 : i64, kind = #tpu.reduction_kind<sum>} : vector<16xi1> -> vector<16xi32>
        %add3A_915 = arith.addi %add3A_873, %all_reduce_population_count3A_914 : vector<16xi32>
        %sub3A_916 = arith.subf %gather3A_232, %get3A_608 : vector<16xf32>
        %sub3A_917 = arith.subf %gather3A_236, %get3A_612 : vector<16xf32>
        %sub3A_918 = arith.subf %gather3A_240, %get3A_616 : vector<16xf32>
        %mul3A_919 = arith.mulf %sub3A_916, %sub3A_916 : vector<16xf32>
        %mul3A_920 = arith.mulf %sub3A_917, %sub3A_917 : vector<16xf32>
        %add3A_921 = arith.addf %mul3A_919, %mul3A_920 : vector<16xf32>
        %mul3A_922 = arith.mulf %sub3A_918, %sub3A_918 : vector<16xf32>
        %add3A_923 = arith.addf %add3A_921, %mul3A_922 : vector<16xf32>
        %lt3A_924 = arith.constant 0.00999999977 : f32
        %lt3A_925 = vector.broadcast %lt3A_924 : f32 to vector<16xf32>
        %lt3A_926 = arith.cmpf olt, %add3A_923, %lt3A_925 : vector<16xf32>
        %and3A_927 = arith.andi %lt3A_926, %and3A_621 : vector<16xi1>
        %max3A_928 = arith.constant 9.99999968E-21 : f32
        %max3A_929 = vector.broadcast %max3A_928 : f32 to vector<16xf32>
        %max3A_930 = arith.maximumf %add3A_923, %max3A_929 : vector<16xf32>
        %bitcast3A_931 = vector.bitcast %max3A_930 : vector<16xf32> to vector<16xi32>
        %shift_right_arithmetic3A_932 = arith.constant 1 : i32
        %shift_right_arithmetic3A_933 = vector.broadcast %shift_right_arithmetic3A_932 : i32 to vector<16xi32>
        %shift_right_arithmetic3A_934 = arith.shrsi %bitcast3A_931, %shift_right_arithmetic3A_933 : vector<16xi32>
        %sub3A_935 = arith.constant 1597463174 : i32
        %sub3A_936 = vector.broadcast %sub3A_935 : i32 to vector<16xi32>
        %sub3A_937 = arith.subi %sub3A_936, %shift_right_arithmetic3A_934 : vector<16xi32>
        %bitcast3A_938 = vector.bitcast %sub3A_937 : vector<16xi32> to vector<16xf32>
        %mul3A_939 = arith.constant 5.006240e-01 : f32
        %mul3A_940 = vector.broadcast %mul3A_939 : f32 to vector<16xf32>
        %mul3A_941 = arith.mulf %mul3A_940, %max3A_930 : vector<16xf32>
        %mul3A_942 = arith.mulf %mul3A_941, %bitcast3A_938 : vector<16xf32>
        %mul3A_943 = arith.mulf %mul3A_942, %bitcast3A_938 : vector<16xf32>
        %sub3A_944 = arith.constant 1.50087893 : f32
        %sub3A_945 = vector.broadcast %sub3A_944 : f32 to vector<16xf32>
        %sub3A_946 = arith.subf %sub3A_945, %mul3A_943 : vector<16xf32>
        %mul3A_947 = arith.mulf %bitcast3A_938, %sub3A_946 : vector<16xf32>
        %mul3A_948 = arith.mulf %max3A_930, %mul3A_947 : vector<16xf32>
        %sub3A_949 = arith.constant 1.000000e-01 : f32
        %sub3A_950 = vector.broadcast %sub3A_949 : f32 to vector<16xf32>
        %sub3A_951 = arith.subf %sub3A_950, %mul3A_948 : vector<16xf32>
        %jit3A_952 = arith.constant 0.000000e+00 : f32
        %broadcast_in_dim3A_953 = vector.broadcast %jit3A_952 : f32 to vector<16xf32>
        %select_n3A_954 = arith.select %and3A_927, %sub3A_951, %broadcast_in_dim3A_953 : vector<16xi1>, vector<16xf32>
        %add3A_955 = arith.addf %add3A_913, %select_n3A_954 : vector<16xf32>
        %all_reduce_population_count3A_956 = tpu.all_reduce %and3A_927 {dim = 0 : i64, kind = #tpu.reduction_kind<sum>} : vector<16xi1> -> vector<16xi32>
        %add3A_957 = arith.addi %add3A_915, %all_reduce_population_count3A_956 : vector<16xi32>
        %add3A_958 = arith.constant 32 : i32
        %add3A_959 = vector.broadcast %add3A_958 : i32 to vector<16xi32>
        %add3A_960 = arith.addi %while3A_254, %add3A_959 : vector<16xi32>
        scf.yield %add3A_955, %add3A_957, %add3A_960 : vector<16xf32>, vector<16xi32>, vector<16xi32>
      }
      scf.yield %while3A_250#0, %while3A_250#1 : vector<16xf32>, vector<16xi32>
    }
    %scan3A_82 = arith.constant 4 : i32
    %reduce_sum3A = arith.constant true
    %reduce_sum3A_83 = vector.broadcast %reduce_sum3A : i1 to vector<16xi1>
    %reduce_sum3A_84 = tpu.scan <sum>, %scan3A_81#0 masked %reduce_sum3A_83 : vector<16xf32>, vector<16xi1> -> vector<16xf32>
    %reduce_sum3A_85 = vector.extract %reduce_sum3A_84[15] : f32 from vector<16xf32>
    %reduce_sum3A_86 = arith.constant true
    %reduce_sum3A_87 = vector.broadcast %reduce_sum3A_86 : i1 to vector<16xi1>
    %reduce_sum3A_88 = tpu.scan <sum>, %scan3A_81#1 masked %reduce_sum3A_87 : vector<16xi32>, vector<16xi1> -> vector<16xi32>
    %reduce_sum3A_89 = vector.extract %reduce_sum3A_88[15] : i32 from vector<16xi32>
    %jit3A_90 = arith.constant 16 : i32
    %div3A_91 = arith.divsi %reduce_sum3A_89, %jit3A_90 : i32
    %sign3A_92 = arith.constant 0 : i32
    %sign3A_93 = arith.cmpi sgt, %reduce_sum3A_89, %sign3A_92 : i32
    %sign3A_94 = arith.extui %sign3A_93 : i1 to i32
    %sign3A_95 = arith.constant 0 : i32
    %sign3A_96 = arith.cmpi slt, %reduce_sum3A_89, %sign3A_95 : i32
    %sign3A_97 = arith.extui %sign3A_96 : i1 to i32
    %sign3A_98 = arith.subi %sign3A_94, %sign3A_97 : i32
    %sign3A_99 = arith.constant 0 : i32
    %sign3A_100 = arith.cmpi sgt, %jit3A_90, %sign3A_99 : i32
    %sign3A_101 = arith.extui %sign3A_100 : i1 to i32
    %sign3A_102 = arith.constant 0 : i32
    %sign3A_103 = arith.cmpi slt, %jit3A_90, %sign3A_102 : i32
    %sign3A_104 = arith.extui %sign3A_103 : i1 to i32
    %sign3A_105 = arith.subi %sign3A_101, %sign3A_104 : i32
    %ne3A_106 = arith.cmpi ne, %sign3A_98, %sign3A_105 : i32
    %rem3A_107 = arith.remsi %reduce_sum3A_89, %jit3A_90 : i32
    %ne3A_108 = arith.constant 0 : i32
    %ne3A_109 = arith.cmpi ne, %rem3A_107, %ne3A_108 : i32
    %and3A_110 = arith.andi %ne3A_106, %ne3A_109 : i1
    %sub3A_111 = arith.constant 1 : i32
    %sub3A_112 = arith.subi %div3A_91, %sub3A_111 : i32
    %select_n3A_113 = arith.select %and3A_110, %sub3A_112, %div3A_91 : i32
    %convert_element_type3A = arith.sitofp %select_n3A_113 : i32 to f32
    %eq3A_114 = arith.constant 1 : i32
    %eq3A_115 = vector.broadcast %eq3A_114 : i32 to vector<16xi32>
    %eq3A_116 = arith.cmpi eq, %iota3A, %eq3A_115 : vector<16xi32>
    %jit3A_117 = arith.constant 0.000000e+00 : f32
    %broadcast_in_dim3A_118 = vector.broadcast %convert_element_type3A : f32 to vector<16xf32>
    %broadcast_in_dim3A_119 = vector.broadcast %jit3A_117 : f32 to vector<16xf32>
    %select_n3A_120 = arith.select %eq3A_116, %broadcast_in_dim3A_118, %broadcast_in_dim3A_119 : vector<16xi1>, vector<16xf32>
    %broadcast_in_dim3A_121 = vector.broadcast %reduce_sum3A_85 : f32 to vector<16xf32>
    %select_n3A_122 = arith.select %eq3A_40, %broadcast_in_dim3A_121, %select_n3A_120 : vector<16xi1>, vector<16xf32>
    %swap3A = arith.constant 0 : index
    %swap3A_123 = tpu.vector_load %arg9[%swap3A] {strides = array<i32>} : memref<16xf32, #tpu.memory_space<vmem>>, vector<16xf32>,
    tpu.vector_store %arg9[%swap3A], %select_n3A_122 {strides = array<i32>} : memref<16xf32, #tpu.memory_space<vmem>>, vector<16xf32>,
    %mul3A_124 = arith.constant 16 : i32
    %mul3A_125 = arith.muli %add3A, %mul3A_124 : i32
    "tpu.region"() ({
      %run_scoped3A = tpu.sem_alloc : memref<!tpu.dma_semaphore, #tpu.memory_space<semaphore_mem>>
      %dma_start3A = tpu.memref_slice %arg5[%mul3A_125] : memref<512xf32, #tpu.memory_space<hbm>> -> memref<16xf32, #tpu.memory_space<hbm>>
      %dma_start3A_126 = tpu.memref_slice %arg5[%mul3A_125] : memref<512xf32, #tpu.memory_space<hbm>> -> memref<16xf32, #tpu.memory_space<hbm>>
      tpu.enqueue_dma source(%arg9 : memref<16xf32, #tpu.memory_space<vmem>>) target(%dma_start3A_126 : memref<16xf32, #tpu.memory_space<hbm>>) target_semaphore(%run_scoped3A : memref<!tpu.dma_semaphore, #tpu.memory_space<semaphore_mem>>)
      %dma_wait3A = tpu.memref_slice %arg5[%mul3A_125] : memref<512xf32, #tpu.memory_space<hbm>> -> memref<16xf32, #tpu.memory_space<hbm>>
      %dma_wait3A_127 = tpu.memref_slice %arg5[%mul3A_125] : memref<512xf32, #tpu.memory_space<hbm>> -> memref<16xf32, #tpu.memory_space<hbm>>
      tpu.wait_dma2 semaphore(%run_scoped3A : memref<!tpu.dma_semaphore, #tpu.memory_space<semaphore_mem>>) src(%arg9 : memref<16xf32, #tpu.memory_space<vmem>>) dst(%dma_wait3A_127 : memref<16xf32, #tpu.memory_space<hbm>>)
      tpu.yield
    }) : () -> ()
    return
  }
}

module attributes {stable_mosaic.version = 14 : i64} {
  func.func @_combine_body(%arg0: memref<32x16xf32, #tpu.memory_space<vmem>>, %arg1: memref<1x1xf32, #tpu.memory_space<smem>>) attributes {dimension_semantics = [], scalar_prefetch = 0 : i64, scratch_operands = 0 : i64, tpu.core_type = #tpu.core_type<tc>} {
    %get3A = arith.constant 0 : index
    %get3A_0 = arith.constant 0 : index
    %get3A_1 = vector.load %arg0[%get3A, %get3A_0] : memref<32x16xf32, #tpu.memory_space<vmem>>, vector<32x16xf32>
    %slice3A = vector.extract_strided_slice %get3A_1 {offsets = [0, 0], sizes = [32, 1], strides = [1, 1]} : vector<32x16xf32> to vector<32x1xf32>
    %squeeze3A = vector.shape_cast %slice3A : vector<32x1xf32> to vector<32xf32>
    %reduce_sum3A = vector.shape_cast %squeeze3A : vector<32xf32> to vector<1x32xf32>
    %reduce_sum3A_2 = arith.constant dense<0.000000e+00> : vector<1xf32>
    %reduce_sum3A_3 = vector.multi_reduction <add>, %reduce_sum3A, %reduce_sum3A_2 [1] : vector<1x32xf32> to vector<1xf32>
    %reduce_sum3A_4 = vector.shape_cast %reduce_sum3A_3 : vector<1xf32> to vector<1x1xf32>
    %reduce_sum3A_5 = vector.extract %reduce_sum3A_4[0, 0] : f32 from vector<1x1xf32>
    %slice3A_6 = vector.extract_strided_slice %get3A_1 {offsets = [0, 1], sizes = [32, 1], strides = [1, 1]} : vector<32x16xf32> to vector<32x1xf32>
    %squeeze3A_7 = vector.shape_cast %slice3A_6 : vector<32x1xf32> to vector<32xf32>
    %reduce_sum3A_8 = vector.shape_cast %squeeze3A_7 : vector<32xf32> to vector<1x32xf32>
    %reduce_sum3A_9 = arith.constant dense<0.000000e+00> : vector<1xf32>
    %reduce_sum3A_10 = vector.multi_reduction <add>, %reduce_sum3A_8, %reduce_sum3A_9 [1] : vector<1x32xf32> to vector<1xf32>
    %reduce_sum3A_11 = vector.shape_cast %reduce_sum3A_10 : vector<1xf32> to vector<1x1xf32>
    %reduce_sum3A_12 = vector.extract %reduce_sum3A_11[0, 0] : f32 from vector<1x1xf32>
    %gt3A = arith.constant 0.000000e+00 : f32
    %gt3A_13 = arith.cmpf ogt, %reduce_sum3A_12, %gt3A : f32
    %mul3A = arith.constant 1.000000e+00 : f32
    %mul3A_14 = arith.mulf %mul3A, %reduce_sum3A_5 : f32
    %max3A = arith.constant 1.000000e+00 : f32
    %max3A_15 = arith.maximumf %reduce_sum3A_12, %max3A : f32
    %div3A = arith.divf %mul3A_14, %max3A_15 : f32
    %jit3A = arith.constant 0.000000e+00 : f32
    %select_n3A = arith.select %gt3A_13, %div3A, %jit3A : f32
    %swap3A = arith.constant 0 : index
    %swap3A_16 = arith.constant 0 : index
    %swap3A_17 = memref.load %arg1[%swap3A, %swap3A_16] : memref<1x1xf32, #tpu.memory_space<smem>>
    memref.store %select_n3A, %arg1[%swap3A, %swap3A_16] : memref<1x1xf32, #tpu.memory_space<smem>>
    return
  }
}

</mosaic_0001>

<sc_bundles>
// kernel: kernel.4.cloned.1.call-start
scs
__scs_entry_jumppad:
0x0: {  	(pc) =	sbr.rel $0x88, $3  }
0x1: {  	(tag) =	ssettag $0x0;
	lr =	simm.s32 $0x1  }
0x2: {  	[smem:$0x3F9D] =	sst lr;
	_ =	strace $0xD0000000  }
0x3: {  	_ = 	snop  }
0x4: {  	_ = 	snop  }
0x5: {  	_ = 	snop  }
0x6: {  	_ = 	snop  }
0x7: {  	_ = 	snop  }
__scs_overlays_trampoline_lowered:
0x8: {  	[smem:$0x3FAC] =	sst s0  }
0x9: {  	[smem:$0x3FAD] =	sst s1  }
0xa: {  	[smem:$0x3FAE] =	sst s2  }
0xb: {  	[smem:$0x3FAF] =	sst s3  }
0xc: {  	[smem:$0x3FB0] =	sst s4  }
0xd: {  	[smem:$0x3FB1] =	sst s5  }
0xe: {  	[smem:$0x3FB2] =	sst s6  }
0xf: {  	[smem:$0x3FB3] =	sst s7  }
0x10: {  	[smem:$0x3FB4] =	sst s8  }
0x11: {  	[smem:$0x3FB5] =	sst s9;
	s0 =	simm.s32 @!p0 $0x0  }
0x12: {  	s1 =	sld [smem:$0x3F9B];
	s0 =	simm.s32 @p0 $0x1  }
0x13: {  	[smem:$0x3FB6] =	sst s0;
	s0 =	simm.s32 @!p1 $0x0  }
0x14: {  	s2 =	sld [smem:$0x3F9A];
	s0 =	simm.s32 @p1 $0x1  }
0x15: {  	[smem:$0x3FB7] =	sst s0;
	s0 =	simm.s32 @!p2 $0x0  }
0x16: {  	s3 =	sld [smem:$0x3FDB];
	s0 =	simm.s32 @p2 $0x1  }
0x17: {  	s4 =	simm.s32 $0x1BF5;
	[smem:$0x3FB9] =	sst s0  }
0x18: {  	s0 =	sld [smem:$0x3F9C];
	_ =	swait.ge [sflag:s4], $0x0  }
0x19: {  	s7 =	sld [smem:$0x3F9D]  }
0x1a: {  	s8 =	sadd.s32 $0xFFFFE003, lr  }
0x1b: {  	s9 =	sadd.s32 $0xFFFFFEF7, lr;
	s5 =	simm.s32 $0xFFFFFFFF;
	p2 =	slt.u32 s8, $0xFFFFF086  }
0x1c: {  	p1 =	slt.u32 s9, $0xF7A;
	s5 =	simm.s32 @!p2 $0x0  }
0x1d: {  	s5 =	simm.s32 @p1 $0x1;
	p0 =	seq.s32 s7, s2  }
0x1e: {  	s7 =	smul.u32 @!p0 $0xF7A, s2;
	p2 =	seq.s32 @!p0 s5, $0x0  }
0x1f: {  	s9 =	smul.u32 $0xF7A, s1;
	s8 =	simm.s32 @!p0 $0x1BF5;
	p2 =	por !p2, p0  }
0x20: {  	[sflag:s8] =	ssyncset.s32 @!p0 $0xFFFFF086;
	s6 =	sadd.s32 @!p0 s3, s7;
	s7 =	simm.s32 @!p0 $0x108  }
0x21: {  	s3 =	sadd.s32 s3, s9;
	s6 =	sadd.s32 @!p0 $0x88, s6;
	s7 =	simm.s32 @p2 $0x1082  }
0x22: {  	[simem:s7], [sflag:s8] =	dma.local @!p0 [hbm:s6], $0xF7A  }
0x23: {  	s9 =	sor.u32 $0xD0000000, s2;
	s6 =	simm.s32 $0x108;
	_ =	swait.ge @!p0 [sflag:s8], $0x0  }
0x24: {  	s3 =	sadd.s32 $0x88, s3;
	s6 =	simm.s32 @!p1 $0x1082;
	[sflag:s4] =	ssyncset.s32 $0xFFFFF086  }
0x25: {  	[simem:s6], [sflag:s4] =	dma.local [hbm:s3], $0xF7A  }
0x26: {  	[smem:$0x3F9D] =	sst s1;
	(tag) =	ssettag s2;
	_ =	strace s9  }
0x27: {  	s1 =	sld [smem:$0x3FAD]  }
0x28: {  	s2 =	sld [smem:$0x3FAE]  }
0x29: {  	s4 =	sld [smem:$0x3FB0]  }
0x2a: {  	p0 =	seq.s32 s5, $0x0;
	s5 =	sld [smem:$0x3FB1]  }
0x2b: {  	s6 =	sld [smem:$0x3FB2]  }
0x2c: {  	s7 =	sld [smem:$0x3FB3]  }
0x2d: {  	s3 =	simm.s32 $0x108;
	s8 =	sld [smem:$0x3FB4]  }
0x2e: {  	s3 =	simm.s32 @!p0 $0x1082;
	s9 =	sld [smem:$0x3FB5]  }
0x2f: {  	lr =	sadd.s32 s0, s3;
	s0 =	sld [smem:$0x3FAC]  }
0x30: {  	s3 =	sld [smem:$0x3FAF]  }
0x31: {  	[smem:$0x3FB8] =	sst s10  }
0x32: {  	s10 =	sld [smem:$0x3FB6];
	_ =	sdelay $0x3  }
0x33: {  	p0 =	seq.s32 s10, $0x1;
	s10 =	sld [smem:$0x3FB8];
	_ =	sdelay $0x3  }
0x34: {  	[smem:$0x3FB8] =	sst s10  }
0x35: {  	s10 =	sld [smem:$0x3FB7];
	_ =	sdelay $0x3  }
0x36: {  	p1 =	seq.s32 s10, $0x1;
	s10 =	sld [smem:$0x3FB8];
	_ =	sdelay $0x3  }
0x37: {  	[smem:$0x3FB8] =	sst s10  }
0x38: {  	s10 =	sld [smem:$0x3FB9]  }
0x39: {  	_ = 	snop;
	(pc) =	sbr.ind lr, $3  }
0x3a: {  	_ = 	snop  }
0x3b: {  	_ = 	snop  }
0x3c: {  	p2 =	seq.s32 s10, $0x1;
	s10 =	sld [smem:$0x3FB8]  }
0x3d: {  	_ =	shalt  }
0x3e: {  	_ =	shalt  }
0x3f: {  	_ =	shalt  }
0x40: {  	_ =	shalt  }
0x41: {  	_ =	shalt  }
0x42: {  	_ =	shalt  }
0x43: {  	_ =	shalt  }
0x44: {  	_ =	shalt  }
0x45: {  	_ =	shalt  }
0x46: {  	_ =	shalt  }
0x47: {  	_ =	shalt  }
0x48: {  	_ =	shalt  }
0x49: {  	_ =	shalt  }
0x4a: {  	_ =	shalt  }
0x4b: {  	_ =	shalt  }
0x4c: {  	_ =	shalt  }
0x4d: {  	_ =	shalt  }
0x4e: {  	_ =	shalt  }
0x4f: {  	_ =	shalt  }
0x50: {  	_ =	shalt  }
0x51: {  	_ =	shalt  }
0x52: {  	_ =	shalt  }
0x53: {  	_ =	shalt  }
0x54: {  	_ =	shalt  }
0x55: {  	_ =	shalt  }
0x56: {  	_ =	shalt  }
0x57: {  	_ =	shalt  }
0x58: {  	_ =	shalt  }
0x59: {  	_ =	shalt  }
0x5a: {  	_ =	shalt  }
0x5b: {  	_ =	shalt  }
0x5c: {  	_ =	shalt  }
0x5d: {  	_ =	shalt  }
0x5e: {  	_ =	shalt  }
0x5f: {  	_ =	shalt  }
0x60: {  	_ =	shalt  }
0x61: {  	_ =	shalt  }
0x62: {  	_ =	shalt  }
0x63: {  	_ =	shalt  }
0x64: {  	_ =	shalt  }
0x65: {  	_ =	shalt  }
0x66: {  	_ =	shalt  }
0x67: {  	_ =	shalt  }
0x68: {  	_ =	shalt  }
0x69: {  	_ =	shalt  }
0x6a: {  	_ =	shalt  }
0x6b: {  	_ =	shalt  }
0x6c: {  	_ =	shalt  }
0x6d: {  	_ =	shalt  }
0x6e: {  	_ =	shalt  }
0x6f: {  	_ =	shalt  }
0x70: {  	_ =	shalt  }
0x71: {  	_ =	shalt  }
0x72: {  	_ =	shalt  }
0x73: {  	_ =	shalt  }
0x74: {  	_ =	shalt  }
0x75: {  	_ =	shalt  }
0x76: {  	_ =	shalt  }
0x77: {  	_ =	shalt  }
0x78: {  	_ =	shalt  }
0x79: {  	_ =	shalt  }
0x7a: {  	_ =	shalt  }
0x7b: {  	_ =	shalt  }
0x7c: {  	_ =	shalt  }
0x7d: {  	_ =	shalt  }
0x7e: {  	_ =	shalt  }
0x7f: {  	_ =	shalt  }
0x80: {  	_ =	shalt  }
0x81: {  	_ =	shalt  }
0x82: {  	_ =	shalt  }
0x83: {  	_ =	shalt  }
0x84: {  	_ =	shalt  }
0x85: {  	_ =	shalt  }
0x86: {  	_ =	shalt  }
0x87: {  	_ =	shalt  }
.Lfunc_end0:
.L_simem_size_0:
called_computation_lowered:
.L_overlay_start_0:
0x88: {  	s2 =	sld [smem:$0x3FD9]  }
0x89: {  	s3 =	sld [smem:$0x3FFE];
	_ =	sdelay $0x1  }
0x8a: {  	s1 =	srdreg.scid  }
0x8b: {  	s0 =	sand.u32 $0x1, s1  }
0x8c: {  	s17 =	sshll.u32 s0, $0xA;
	s2 =	sadd.s32 s3, s2  }
0x8d: {  	s2 =	sadd.s32 s2, s17  }
0x8e: {  	[smem:$0x3FC4] =	sst s2  }
0x8f: {  	_ = 	snop  }
0x90: {  	s2 =	sld [smem:$0x3FD0];
	(tm) =	ssettm $0x1  }
0x91: {  	s18 =	sld [smem:$0x3FFB];
	_ =	sdelay $0x3  }
0x92: {  	_ =	strace s18  }
0x93: {  	s3 =	sld [smem:$0x3FFC];
	_ =	sdelay $0x3  }
0x94: {  	_ =	strace s3  }
0x95: {  	s3 =	sld [smem:$0x3FFD];
	_ =	sdelay $0x3  }
0x96: {  	_ =	strace s3  }
0x97: {  	_ =	strace $0x8FFFFFFF  }
0x98: {  	s19 =	sld [smem:$0x3FDB];
	_ =	sdelay $0x1  }
0x99: {  	s4 =	simm.s32 $_scs_section_size  }
0x9a: {  	s5 =	simm.s32 $_size__tile_overlayer_lowered;
	s6 =	simm.s32 $_tile_overlayer_lowered  }
0x9b: {  	s22 =	simm.s32 $0x1BFF;
	s21 =	sshll.u32 s6, $0x1;
	s3 =	sadd.s32 s4, s19  }
0x9c: {  	s7 =	simm.s32 $0x0;
	s20 =	sshll.u32 s5, $0x1;
	s5 =	sadd.s32 s21, s3  }
0x9d: {  	[timem:s7], [sflag:s22] =	dma.local [hbm:s5], s20  }
0x9e: {  	_ =	swait.ge [sflag:s22], s20  }
0x9f: {  	s4 =	ssub.s32 $0x0, s20;
	[sflag:s22] =	ssyncset.done $0x0  }
0xa0: {  	[sflag:s22] =	ssyncadd.s32 s4;
	_ =	sdelay $0x1  }
0xa1: {  	s23 =	simm.s32 $0x1B8B  }
0xa2: {  	_ =	swait.ge [sflag:s23], $0x1  }
0xa3: {  	[sflag:s23] =	ssyncset.done $0x0  }
0xa4: {  	s25 =	simm.s32 $0x1B8E;
	s24 =	sld [smem:$0x3FFE];
	[sflag:s23] =	ssyncadd.s32 $0xFFFFFFFF  }
0xa5: {  	s26 =	simm.s32 $execute0_lowered;
	[smem:$0x3FD2] =	sst s25  }
0xa6: {  	s5 =	sshll.u32 s26, $0x1;
	_ =	strace $0x80000046;
	[dreg:$0x1] =	wrdreg $0xFFFFFFFF  }
0xa7: {  	s28 =	simm.s32 $_size_execute0_lowered;
	s3 =	sadd.s32 s3, s5;
	[dreg:$0x0] =	wrdreg $0x0  }
0xa8: {  	s5 =	sshll.u32 s28, $0x1;
	[dreg:$0x2] =	wrdreg s3  }
0xa9: {  	[dreg:$0x3] =	wrdreg s5  }
0xaa: {  	[dreg:$0x4] =	wrdreg $0xC0  }
0xab: {  	_ =	task [dreg:s7], $0x5FFFF  }
0xac: {  	[dreg:$0x1] =	wrdreg $0xFFFFFFFF  }
0xad: {  	[dreg:$0x0] =	wrdreg $0x60  }
0xae: {  	[dreg:$0x2] =	wrdreg s24  }
0xaf: {  	[dreg:$0x3] =	wrdreg s2  }
0xb0: {  	[dreg:$0x4] =	wrdreg $0x9  }
0xb1: {  	_ =	task.clear_ibuf [dreg:s7], $0x5FFFF;
	_ =	strace $0x90000046  }
0xb2: {  	s29 =	simm.s32 $0x9;
	_ =	strace $0x80000048  }
0xb3: {  	_ =	swait.ge [sflag:s29], $0x1  }
0xb4: {  	[sflag:s29] =	ssyncadd.s32 $0xFFFFFFFF  }
0xb5: {  	_ =	strace $0x90000048  }
0xb6: {  	_ =	sfence  }
0xb7: {  	s30 =	sld [smem:$0x0];
	_ =	sdelay $0x2  }
0xb8: {  	s31 =	sshll.u32 s1, $0xD;
	s1 =	sshrl.u32 s1, $0x2  }
0xb9: {  	s3 =	sand.u32 $0x4000, s31;
	s1 =	sadd.s32 s1, s30  }
0xba: {  	s0 =	sor.u32 s3, s0;
	s1 =	sshll.u32 s1, $0x11  }
0xbb: {  	s0 =	sor.u32 s1, s0  }
0xbc: {  	s0 =	sadd.s32 $0x8F2B, s0  }
0xbd: {  	[sflag:s0] =	ssyncadd.remote.s32 $0x1  }
0xbe: {  	_ =	sfence.sel $0xFFFF  }
0xbf: {  	[dreg:$0x0] =	wrdreg $0xFFFFFFFF;
	(pc) =	sbr.abs _section_cstart, $3  }
0xc0: {  	[dreg:$0x1] =	wrdreg $0xFFFFFFFF  }
0xc1: {  	_ =	task.clear_ibuf [dreg:s7], $0x2FFFF;
	_ =	strace $0x9FFFFFFF  }
0xc2: {  	(tm) =	ssettm $0x7FFFFFFF  }
0xc3: {  	_ =	shalt  }
tec
execute0_lowered:
.L_overlay_start_1:
0x0: {  	(tag) =	ssettag $0x1  }
0x1: {  	s1 =	srdreg.scid;
	s5 =	rddreg [dreg:$0x0]  }
0x2: {  	s0 =	stileid.u32;
	s2 =	rddreg [dreg:$0x1]  }
0x3: {  	s3 =	simm.s32 $0x0;
	s11 =	simm.s32 $0xC100;
	s12 =	simm.s32 $0x0  }
0x4: {  	s4 =	sand.u32 $0x1, s1;
	s30 =	sshll.u32 s0, $0x1;
	s1 =	rddreg [dreg:$0x2]  }
0x5: {  	s10 =	sshrl.u32 s0, $0x2;
	[smem:$0x7FF] =	sst s3;
	s6 =	sor.u32 s4, s30  }
0x6: {  	s8 =	sshll.u32 s10, $0x3;
	_ =	strace $0x80000047;
	s31 =	smul.u32 $0x1800, s10  }
0x7: {  	s4 =	ssub.s32 $0x2, s4;
	v0 =	vmov s10;
	s10 =	simm.s32 $0xC080;
	s7 =	sand.u32 $0x7, s6  }
.Ltmp0:
0x8: {  	s6 =	sshll.u32 s6, $0x1;
	s7 =	sor.u32 s8, s7;
	(pc) =	sbr.rel .LBB2_1-.Ltmp0, $4  }
0x9: {  	s9 =	sshrl.u32 s4, $0x1;
	s8 =	sadd.s32 s31, s5;
	s7 =	smul.u32 $0xC, s7  }
0xa: {  	s6 =	sadd.s32 s6, s5;
	s9 =	ssub.s32 s4, s9;
	s4 =	sadd.s32 $0xC00, s8  }
0xb: {  	s6 =	sadd.s32 $0x6E00, s6;
	s8 =	simm.s32 $0x1;
	s7 =	sadd.s32 s7, s5  }
0xc: {  	[tilespmem:$0x1FFF0] =	vst v0;
	s5 =	sadd.s32 $0x6C00, s7;
	s7 =	smax.u32 s9, $0x1;
	s9 =	simm.s32 $0xC000  }
.LBB2_7:
0xd: {  	(xrf0) =	vadd.scan.msk.s32 $0xffff, v0;
	_ =	sdelay $0x5  }
0xe: {  	v0, _, _ =	vpop (xrf0)  }
0xf: {  	(v2sf) =	vpush v0, $0xF;
	_ =	sdelay $0xc  }
0x10: {  	(xrf2) =	vadd.scan.msk.f32 $0xffff, v1;
	_ =	sdelay $0x1  }
0x11: {  	s13 =	spop (v2sf)  }
0x12: {  	s14 =	sand.u32 $0xF, s13  }
0x13: {  	s31 =	sshra.s32 s13, $0x1F;
	p1 =	slt.s32 s13, $0x1;
	p0 =	sne.s32 s14, $0x0  }
0x14: {  	s14 =	sshrl.u32 s31, $0x1C;
	p0 =	por !p1, !p0  }
0x15: {  	s13 =	sadd.s32 s14, s13;
	s14 =	simm.s32 $0x1;
	p0 =	por !p0, !p0  }
0x16: {  	s13 =	sshra.s32 s13, $0x4;
	s14 =	simm.s32 @!p0 $0x0  }
0x17: {  	s13 =	ssub.s32 s13, s14  }
0x18: {  	s13 =	scvt.s32.f32 s13  }
0x19: {  	v62, _, _ =	vpop (xrf2)  }
0x1a: {  	vm0 =	vcmask $0x704;
	v0 =	vbroadcast v62, $0xF;
	v63 =	vmov s13  }
0x1b: {  	vm15 =	vmmov $0x1;
	s12 =	sadd.s32 $0x1, s12;
	v1 =	vnsel vm0, $0x0, v63  }
0x1c: {  	p0 =	sne.s32 s12, s7;
	v0 =	vsel vm15, v0, v1  }
.Ltmp1:
0x1d: {  	[tilespmem:$0xC100] =	vst v0;
	(pc) =	sbr.rel @!p0 .LBB2_8-.Ltmp1, $4  }
0x1e: {  	[hbm4b:s6+s3] =	stream.linear.scatter [tilespmem:s11], [sflag:$0x1], $0x10, $0x38;
	[tilespmem:$0xC180] =	vst v63  }
0x1f: {  	_ =	swait.ge [sflag:s8], $0x10  }
0x20: {  	[sflag:s8] =	ssyncset.done $0x0  }
0x21: {  	[sflag:s8] =	ssyncadd.s32 $0xFFFFFFF0  }
.LBB2_1:
0x22: {  	[tilespmem:s3], [sflag:$0x1] =	stream.linear.gather [hbm4b:s4+s3], $0xC000, $0x38;
	[tilespmem:$0xC180] =	vst v63  }
0x23: {  	_ =	swait.ge [sflag:s8], $0xC000  }
0x24: {  	[sflag:s8] =	ssyncset.done $0x0  }
0x25: {  	[sflag:s8] =	ssyncadd.s32 $0xFFFF4000  }
0x26: {  	[tilespmem:s9], [sflag:$0x1] =	stream.linear.gather [hbm4b:s5+s3], $0x60, $0x38;
	[tilespmem:$0xC180] =	vst v63  }
0x27: {  	_ =	swait.ge [sflag:s8], $0x60  }
0x28: {  	[sflag:s8] =	ssyncset.done $0x0  }
0x29: {  	[sflag:s8] =	ssyncadd.s32 $0xFFFFFFA0  }
0x2a: {  	[tilespmem:s10], [sflag:$0x1] =	stream.linear.gather [hbm4b:s2+s3], $0x80, $0x38;
	[tilespmem:$0xC180] =	vst v63  }
0x2b: {  	_ =	swait.ge [sflag:s8], $0x80  }
0x2c: {  	v0 =	vld [tilespmem:$0x1FFF0];
	_ =	sdelay $0x5  }
0x2d: {  	[sflag:s8] =	ssyncset.done $0x0  }
0x2e: {  	[sflag:s8] =	ssyncadd.s32 $0xFFFFFF80  }
0x2f: {  	v2 =	vld.idx.msk [tilespmem:v0+s10+$0x0], $0xffff;
	_ =	sdelay $0x4  }
0x30: {  	v0 =	vxor.u32 $0x80000000, v2  }
0x31: {  	(xrf0) =	vmax.scan.msk.u32 $0xffff, v0;
	_ =	sdelay $0x5  }
0x32: {  	v0, _, _ =	vpop (xrf0)  }
0x33: {  	(v2sf) =	vpush v0, $0xF;
	_ =	sdelay $0xe  }
0x34: {  	s13 =	spop (v2sf)  }
0x35: {  	s13 =	sadd.s32 $0x8000001F, s13  }
0x36: {  	s14 =	sand.u32 $0x1F, s13  }
0x37: {  	s31 =	sshra.s32 s13, $0x1F;
	p1 =	slt.s32 s13, $0x1;
	p0 =	sne.s32 s14, $0x0  }
.Ltmp2:
0x38: {  	s14 =	sshrl.u32 s31, $0x1B;
	p0 =	por !p1, !p0;
	(pc) =	sbr.rel .LBB2_2-.Ltmp2, $4  }
0x39: {  	s13 =	sadd.s32 s14, s13;
	s14 =	simm.s32 $0x1;
	p0 =	por !p0, !p0  }
0x3a: {  	s13 =	sshra.s32 s13, $0x5;
	s14 =	simm.s32 @!p0 $0x0  }
0x3b: {  	s13 =	ssub.s32 s13, s14  }
0x3c: {  	v1 =	vimm.f32 $0.0e+00;
	[tilespmem:$0x1FFE0] =	vst v2;
	v0 =	vimm.s32 $0x0;
	s14 =	simm.s32 $0x0;
	p0 =	slt.s32 s13, $0x1  }
.LBB2_5:
0x3d: {  	v2 =	vmul.f32 $5.006240010e-01, v9;
	v6 =	vshra.s32 v9, $0x1  }
0x3e: {  	v7 =	vshra.s32 v3, $0x1;
	v8 =	vshra.s32 v62, $0x1;
	v37 =	vshra.s32 v60, $0x1  }
0x3f: {  	vm0 =	vmand vm13, vm0;
	vm1 =	vlt.f32 v48, $9.999999770e-03;
	v13 =	vshra.s32 v53, $0x1  }
0x40: {  	v14 =	vshra.s32 v51, $0x1;
	v5 =	vmul.f32 v59, v5;
	v35 =	vmpcnt.ones.xlane vm11  }
0x41: {  	v1 =	vmul.f32 v55, v1;
	v0 =	vmul.f32 v52, v0;
	v6 =	vsub.s32 $0x5F375A86, v6  }
0x42: {  	v7 =	vsub.s32 $0x5F375A86, v7;
	v8 =	vsub.s32 $0x5F375A86, v8;
	v2 =	vmul.f32 v6, v2  }
0x43: {  	v13 =	vsub.s32 $0x5F375A86, v13;
	v10 =	vmul.f32 v7, v21;
	v11 =	vmul.f32 v8, v22  }
0x44: {  	v14 =	vsub.s32 $0x5F375A86, v14;
	v16 =	vmul.f32 v13, v16;
	v21 =	vmpcnt.ones.xlane vm12  }
0x45: {  	vm13 =	vmand vm9, vm1;
	v17 =	vmul.f32 v14, v17;
	v5 =	vmul.f32 v59, v5  }
0x46: {  	v22 =	vsub.s32 $0x5F375A86, v19;
	v1 =	vmul.f32 v55, v1;
	v0 =	vmul.f32 v52, v0  }
0x47: {  	vm1 =	vlt.f32 v47, $9.999999770e-03;
	v15 =	vmul.f32 v22, v15;
	v2 =	vmul.f32 v6, v2  }
0x48: {  	v47 =	vshra.s32 v57, $0x1;
	v10 =	vmul.f32 v7, v10;
	v11 =	vmul.f32 v8, v11  }
0x49: {  	v16 =	vmul.f32 v13, v16;
	v5 =	vsub.f32 $1.500878930e+00, v5;
	v1 =	vsub.f32 $1.500878930e+00, v1  }
0x4a: {  	v17 =	vmul.f32 v14, v17;
	v0 =	vsub.f32 $1.500878930e+00, v0;
	v2 =	vsub.f32 $1.500878930e+00, v2  }
0x4b: {  	v10 =	vsub.f32 $1.500878930e+00, v10;
	v5 =	vmul.f32 v59, v5;
	v1 =	vmul.f32 v55, v1  }
0x4c: {  	v39 =	vsub.f32 $1.500878930e+00, v11;
	v0 =	vmul.f32 v52, v0;
	v55 =	vmul.f32 v45, v58  }
0x4d: {  	v16 =	vsub.f32 $1.500878930e+00, v16;
	v58 =	vmul.f32 v44, v54;
	v2 =	vmul.f32 v6, v2  }
0x4e: {  	v6 =	vsub.s32 $0x5F375A86, v37;
	v7 =	vmul.f32 v7, v10;
	v8 =	vmul.f32 v8, v39  }
0x4f: {  	v32 =	vsub.f32 $1.500878930e+00, v17;
	v10 =	vmpcnt.ones.xlane vm15;
	v12 =	vmul.f32 v6, v20  }
0x50: {  	v2 =	vmul.f32 v2, v9;
	v3 =	vmul.f32 v7, v3;
	v7 =	vsub.s32 $0x5F375A86, v47  }
0x51: {  	v28 =	vld [tilespmem:$0x1FE40];
	v40 =	vmul.f32 v6, v12;
	v48 =	vmul.f32 v7, v18  }
0x52: {  	vm1 =	vmand vm9, vm1;
	v13 =	vmul.f32 v13, v16;
	v14 =	vmul.f32 v14, v32  }
0x53: {  	v2 =	vsub.f32 $1.000000010e-01, v2;
	v42 =	vsub.f32 $1.500878930e+00, v40;
	v11 =	vmul.f32 v7, v48  }
0x54: {  	v5 =	vmul.f32 v5, v41;
	v8 =	vmul.f32 v8, v62;
	v3 =	vsub.f32 $1.000000010e-01, v3  }
0x55: {  	v2 =	vnsel vm0, $0x0, v2;
	v6 =	vmul.f32 v6, v42;
	v11 =	vsub.f32 $1.500878930e+00, v11  }
0x56: {  	v1 =	vmul.f32 v1, v38;
	v8 =	vsub.f32 $1.000000010e-01, v8;
	v2 =	vadd.f32 v2, v28  }
0x57: {  	v3 =	vnsel vm15, $0x0, v3;
	v6 =	vmul.f32 v6, v60;
	v7 =	vmul.f32 v7, v11  }
0x58: {  	v0 =	vmul.f32 v0, v36;
	v8 =	vnsel vm14, $0x0, v8;
	v2 =	vadd.f32 v2, v3  }
0x59: {  	v3 =	vmul.f32 v22, v15;
	v6 =	vsub.f32 $1.000000010e-01, v6;
	v7 =	vmul.f32 v7, v57  }
0x5a: {  	v9 =	vmpcnt.ones.xlane vm0;
	v13 =	vmul.f32 v13, v53;
	v2 =	vadd.f32 v2, v8  }
0x5b: {  	v3 =	vsub.f32 $1.500878930e+00, v3;
	v6 =	vnsel vm12, $0x0, v6;
	v7 =	vsub.f32 $1.000000010e-01, v7  }
0x5c: {  	v62 =	vmpcnt.ones.xlane vm14;
	v37 =	vmul.f32 v14, v51;
	v2 =	vadd.f32 v2, v6  }
0x5d: {  	v39 =	vsub.f32 $1.000000010e-01, v13;
	v3 =	vmul.f32 v22, v3;
	v7 =	vnsel vm11, $0x0, v7  }
0x5e: {  	v47 =	vmul.f32 v50, v61;
	v42 =	vmul.f32 v49, v63;
	v2 =	vadd.f32 v2, v7  }
0x5f: {  	v11 =	vnsel vm10, $0x0, v39;
	v8 =	vsub.f32 $1.000000010e-01, v37;
	v3 =	vmul.f32 v3, v46  }
0x60: {  	v51 =	vmpcnt.ones.xlane vm8;
	v5 =	vsub.f32 $1.000000010e-01, v5;
	v2 =	vadd.f32 v2, v11  }
0x61: {  	v13 =	vmul.f32 v49, v42;
	v8 =	vnsel vm8, $0x0, v8;
	v3 =	vsub.f32 $1.000000010e-01, v3  }
0x62: {  	v1 =	vsub.f32 $1.000000010e-01, v1;
	v7 =	vmul.f32 v50, v47;
	v2 =	vadd.f32 v2, v8  }
0x63: {  	v14 =	vmul.f32 v45, v55;
	v63 =	vld [tilespmem:$0x1FFD0];
	v48 =	vsub.f32 $1.500878930e+00, v13;
	v3 =	vnsel vm7, $0x0, v3  }
0x64: {  	v53 =	vmpcnt.ones.xlane vm7;
	v7 =	vsub.f32 $1.500878930e+00, v7;
	v2 =	vadd.f32 v2, v3;
	v3 =	vld [tilespmem:$0x1FE30]  }
0x65: {  	v0 =	vsub.f32 $1.000000010e-01, v0;
	v59 =	vsub.f32 $1.500878930e+00, v14;
	v11 =	vmul.f32 v49, v48  }
0x66: {  	v5 =	vnsel vm6, $0x0, v5;
	v40 =	vmpcnt.ones.xlane vm10;
	v7 =	vmul.f32 v50, v7  }
0x67: {  	v1 =	vnsel vm5, $0x0, v1;
	v60 =	vmul.f32 v45, v59;
	v52 =	vmul.f32 v11, v34  }
0x68: {  	v0 =	vnsel vm4, $0x0, v0;
	v57 =	vmul.f32 v43, v56;
	v7 =	vmul.f32 v7, v33  }
0x69: {  	vm15 =	vnez.u8 v63;
	v8 =	vsub.f32 $1.000000010e-01, v52;
	v3 =	vadd.s32 v3, v9  }
0x6a: {  	v7 =	vsub.f32 $1.000000010e-01, v7;
	v2 =	vadd.f32 v5, v2;
	v3 =	vadd.s32 v10, v3  }
0x6b: {  	v8 =	vnsel vm3, $0x0, v8;
	v9 =	vmul.f32 v43, v57;
	v3 =	vadd.s32 v62, v3  }
0x6c: {  	v1 =	vadd.f32 v2, v1;
	v2 =	vmul.f32 v44, v58;
	v3 =	vadd.s32 v21, v3  }
0x6d: {  	v5 =	vmul.f32 v60, v31;
	v9 =	vsub.f32 $1.500878930e+00, v9;
	v3 =	vadd.s32 v35, v3  }
0x6e: {  	v0 =	vadd.f32 v1, v0;
	v1 =	vsub.f32 $1.500878930e+00, v2;
	v3 =	vadd.s32 v40, v3  }
0x6f: {  	v7 =	vnsel vm2, $0x0, v7;
	v2 =	vmul.f32 v43, v9;
	v3 =	vadd.s32 v51, v3  }
0x70: {  	v1 =	vmul.f32 v44, v1;
	v0 =	vadd.f32 v0, v8;
	v3 =	vadd.s32 v53, v3  }
0x71: {  	v61 =	vsub.f32 $1.000000010e-01, v5;
	v2 =	vmul.f32 v2, v30;
	v3 =	vadd.s32 v4, v3  }
0x72: {  	v0 =	vadd.f32 v0, v7;
	v1 =	vmul.f32 v1, v29;
	v3 =	vadd.s32 v27, v3  }
0x73: {  	v4 =	vnsel vm1, $0x0, v61;
	v2 =	vsub.f32 $1.000000010e-01, v2;
	v3 =	vadd.s32 v26, v3  }
0x74: {  	v62 =	vmpcnt.ones.xlane vm1;
	v0 =	vadd.f32 v0, v4;
	v3 =	vadd.s32 v25, v3  }
0x75: {  	v1 =	vsub.f32 $1.000000010e-01, v1;
	v2 =	vnsel vm15, $0x0, v2;
	v3 =	vadd.s32 v24, v3  }
0x76: {  	v0 =	vadd.f32 v0, v2;
	v2 =	vmpcnt.ones.xlane vm13;
	v3 =	vadd.s32 v62, v3  }
0x77: {  	v1 =	vnsel vm13, $0x0, v1;
	v3 =	vadd.s32 v23, v3  }
0x78: {  	v1 =	vadd.f32 v0, v1;
	v0 =	vadd.s32 v2, v3;
	v2 =	vld [tilespmem:$0x1FFE0]  }
.LBB2_6:
0x79: {  	s14 =	sadd.s32 $0x1, s14  }
0x7a: {  	p1 =	sne.s32 s14, $0x4  }
.Ltmp3:
0x7b: {  	_ = 	snop;
	(pc) =	sbr.rel @!p1 .LBB2_7-.Ltmp3, $1  }
0x7c: {  	_ =	sdelay $0x3  }
.LBB2_2:
.Ltmp4:
0x7d: {  	(pc) =	sbr.rel @p0 .LBB2_6-.Ltmp4, $1  }
0x7e: {  	_ =	sdelay $0x3  }
0x7f: {  	s16 =	sshll.u32 s14, $0x3  }
0x80: {  	[tilespmem:$0x1FE30] =	vst v0;
	v0 =	vmov s16;
	s15 =	sor.u32 $0x20, s16  }
0x81: {  	[tilespmem:$0x1FE40] =	vst v1;
	s25 =	sor.u32 $0x40, s16;
	v0 =	vbroadcast v0, $0x0;
	v1 =	vmov s15  }
0x82: {  	s26 =	sor.u32 $0x41, s16;
	v3 =	vmov s25;
	v1 =	vbroadcast v1, $0x0  }
0x83: {  	s28 =	sor.u32 $0x2, s16;
	v4 =	vmov s26;
	s15 =	simm.s32 $0x0;
	v3 =	vbroadcast v3, $0x0  }
0x84: {  	s29 =	sor.u32 $0x42, s16;
	v5 =	vmov s28;
	v4 =	vbroadcast v4, $0x0;
	v9 =	vld [tilespmem:s15+$0x10]  }
0x85: {  	v6 =	vmov s29;
	v5 =	vbroadcast v5, $0x0;
	v11 =	vld [tilespmem:s15+$0x4010]  }
0x86: {  	v6 =	vbroadcast v6, $0x0;
	v18 =	vld [tilespmem:s15+$0x0]  }
0x87: {  	s29 =	sor.u32 $0x22, s16;
	v8 =	vld.idx.msk [tilespmem:v0+s9+$0x0], $0xffff  }
0x88: {  	s30 =	sor.u32 $0x43, s16;
	v10 =	vmov s29;
	v23 =	vld.idx.msk [tilespmem:v1+s9+$0x0], $0xffff  }
0x89: {  	s31 =	sor.u32 $0x4, s16;
	v7 =	vmov s30;
	v10 =	vbroadcast v10, $0x0;
	v24 =	vld.idx.msk [tilespmem:v3+s9+$0x0], $0xffff  }
0x8a: {  	s17 =	sor.u32 $0x44, s16;
	v0 =	vbroadcast v7, $0x0;
	v7 =	vmov s31;
	v25 =	vld.idx.msk [tilespmem:v4+s9+$0x0], $0xffff  }
0x8b: {  	s18 =	sor.u32 $0x45, s16;
	v1 =	vbroadcast v7, $0x0;
	v7 =	vmov s17;
	v26 =	vld.idx.msk [tilespmem:v5+s9+$0x0], $0xffff  }
0x8c: {  	s19 =	sor.u32 $0x6, s16;
	s31 =	sand.u32 $0xFFFFFFE0, s15;
	v27 =	vld.idx.msk [tilespmem:v6+s9+$0x0], $0xffff;
	v3 =	vbroadcast v7, $0x0;
	v7 =	vmov s18  }
0x8d: {  	s20 =	sor.u32 $0x46, s16;
	v34 =	vld [tilespmem:s31+$0x8000];
	v4 =	vbroadcast v7, $0x0;
	v7 =	vmov s19  }
0x8e: {  	v38 =	vld [tilespmem:s31+$0x4000];
	v5 =	vbroadcast v7, $0x0;
	v7 =	vmov s20  }
0x8f: {  	v28 =	vlaneseq.u32;
	v53 =	vld.idx.msk [tilespmem:v10+s9+$0x0], $0xffff;
	v6 =	vbroadcast v7, $0x0  }
0x90: {  	v32 =	vadd.s32 $0x10, v28;
	vm0 =	vgt.s32 v28, $0x0;
	vm1 =	vlt.s32 v28, v2;
	v47 =	vld.idx.msk [tilespmem:v0+s9+$0x0], $0xffff  }
0x91: {  	s21 =	sshllo.u32 s14, $0x3;
	s28 =	sor.u32 $0x23, s16;
	vm2 =	vgt.s32 v32, $0x0;
	vm3 =	vlt.s32 v32, v2;
	vm13 =	vmand vm0, vm1;
	v40 =	vld.idx.msk [tilespmem:v1+s9+$0x0], $0xffff  }
0x92: {  	s22 =	sor.u32 $0x27, s16;
	v2 =	vimm.s32 $0x0;
	v7 =	vmov s28;
	v0 =	vmov s21;
	v48 =	vld.idx.msk [tilespmem:v3+s9+$0x0], $0xffff  }
0x93: {  	s30 =	sor.u32 $0x1, s16;
	v7 =	vbroadcast v7, $0x0;
	v29 =	vsub.f32 v26, v9;
	v1 =	vmov s22;
	v45 =	vld.idx.msk [tilespmem:v4+s9+$0x0], $0xffff  }
0x94: {  	s23 =	sor.u32 $0x47, s16;
	s24 =	sor.u32 $0x26, s16;
	v12 =	vmov s30;
	v42 =	vsub.f32 v26, v18;
	v30 =	vsub.f32 v53, v11;
	v37 =	vld.idx.msk [tilespmem:v5+s9+$0x0], $0xffff  }
0x95: {  	v3 =	vmov s23;
	v29 =	vmul.f32 v29, v29;
	v4 =	vmov s24;
	v43 =	vld.idx.msk [tilespmem:v6+s9+$0x0], $0xffff  }
0x96: {  	vm9 =	vmand vm2, vm3;
	s17 =	sor.u32 $0x5, s16;
	v30 =	vmul.f32 v30, v30;
	v4 =	vbroadcast v4, $0x0;
	v6 =	vld [tilespmem:s15+$0x8010]  }
0x97: {  	s25 =	sor.u32 $0x25, s16;
	v59 =	vsub.f32 v53, v38;
	v42 =	vmul.f32 v42, v42;
	v5 =	vmov s17;
	v35 =	vld.idx.msk [tilespmem:v0+s9+$0x0], $0xffff  }
0x98: {  	s26 =	sor.u32 $0x24, s16;
	v0 =	vbroadcast v5, $0x0;
	v5 =	vmov s25;
	v29 =	vadd.f32 v30, v29;
	v44 =	vld.idx.msk [tilespmem:v1+s9+$0x0], $0xffff  }
0x99: {  	s18 =	sor.u32 $0x3, s16;
	v30 =	vsub.f32 v27, v34;
	v1 =	vmov s26;
	v5 =	vbroadcast v5, $0x0;
	v52 =	vld.idx.msk [tilespmem:v7+s9+$0x0], $0xffff  }
0x9a: {  	v46 =	vld.idx.msk [tilespmem:v3+s9+$0x0], $0xffff;
	v3 =	vmov s18;
	v1 =	vbroadcast v1, $0x0;
	v7 =	vsub.f32 v37, v9  }
0x9b: {  	v3 =	vbroadcast v3, $0x0;
	[tilespmem:$0x1FE70] =	vst v37;
	v37 =	vsub.f32 v37, v18;
	v13 =	vsub.f32 v45, v6  }
0x9c: {  	s16 =	sor.u32 $0x21, s16;
	v49 =	vld.idx.msk [tilespmem:v4+s9+$0x0], $0xffff;
	v4 =	vbroadcast v12, $0x0;
	v10 =	vsub.f32 v48, v6;
	v19 =	vsub.f32 v27, v6  }
0x9d: {  	[tilespmem:$0x1FF00] =	vst v45;
	v12 =	vmov s16;
	v21 =	vsub.f32 v25, v6;
	v45 =	vsub.f32 v45, v34  }
0x9e: {  	v36 =	vld.idx.msk [tilespmem:v0+s9+$0x0], $0xffff;
	v0 =	vbroadcast v12, $0x0;
	v12 =	vsub.f32 v35, v9;
	v22 =	vsub.f32 v52, v11  }
0x9f: {  	[tilespmem:$0x1FE50] =	vst v35;
	v35 =	vsub.f32 v35, v18;
	v7 =	vmul.f32 v7, v7;
	v37 =	vmul.f32 v37, v37  }
0xa0: {  	v50 =	vld.idx.msk [tilespmem:v5+s9+$0x0], $0xffff;
	v5 =	vsub.f32 v46, v6;
	v13 =	vmul.f32 v13, v13;
	v10 =	vmul.f32 v10, v10  }
0xa1: {  	[tilespmem:$0x1FEE0] =	vst v43;
	v57 =	vsub.f32 v46, v34;
	v19 =	vmul.f32 v19, v19;
	v21 =	vmul.f32 v21, v21  }
0xa2: {  	v63 =	vmul.f32 v45, v45;
	v51 =	vld.idx.msk [tilespmem:v1+s9+$0x0], $0xffff;
	v1 =	vsub.f32 v43, v6;
	v12 =	vmul.f32 v12, v12  }
0xa3: {  	[tilespmem:$0x1FEF0] =	vst v44;
	v43 =	vsub.f32 v43, v34;
	v22 =	vmul.f32 v22, v22;
	v35 =	vmul.f32 v35, v35  }
0xa4: {  	v39 =	vld.idx.msk [tilespmem:v3+s9+$0x0], $0xffff;
	v3 =	vsub.f32 v44, v11;
	v5 =	vmul.f32 v5, v5;
	v44 =	vsub.f32 v44, v38  }
0xa5: {  	v32 =	vmul.f32 v57, v57;
	v14 =	vsub.f32 v49, v11;
	v58 =	vsub.f32 v49, v38  }
0xa6: {  	v1 =	vmul.f32 v1, v1;
	v15 =	vsub.f32 v36, v9;
	v41 =	vld.idx.msk [tilespmem:v4+s9+$0x0], $0xffff;
	v4 =	vsub.f32 v47, v6  }
0xa7: {  	v62 =	vmul.f32 v43, v43;
	v6 =	vsub.f32 v24, v6;
	[tilespmem:$0x1FE60] =	vst v36;
	v36 =	vsub.f32 v36, v18  }
0xa8: {  	[tilespmem:$0x1FE90] =	vst v40;
	v3 =	vmul.f32 v3, v3;
	v44 =	vmul.f32 v44, v44;
	v16 =	vsub.f32 v50, v11  }
0xa9: {  	v54 =	vld.idx.msk [tilespmem:v0+s9+$0x0], $0xffff;
	v0 =	vsub.f32 v40, v9;
	v40 =	vsub.f32 v40, v18;
	v14 =	vmul.f32 v14, v14  }
0xaa: {  	[tilespmem:$0x1FED0] =	vst v46;
	v46 =	vmul.f32 v58, v58;
	v17 =	vsub.f32 v51, v11;
	v15 =	vmul.f32 v15, v15  }
0xab: {  	v4 =	vmul.f32 v4, v4;
	v3 =	vadd.f32 v3, v12;
	v12 =	vsub.f32 v50, v38  }
0xac: {  	v6 =	vmul.f32 v6, v6;
	v35 =	vadd.f32 v44, v35;
	v20 =	vsub.f32 v39, v9  }
0xad: {  	v36 =	vmul.f32 v36, v36;
	[tilespmem:$0x1FE80] =	vst v39;
	v39 =	vsub.f32 v39, v18;
	v7 =	vadd.f32 v14, v7  }
0xae: {  	v16 =	vmul.f32 v16, v16;
	v14 =	vsub.f32 v48, v34;
	v37 =	vadd.f32 v46, v37  }
0xaf: {  	[tilespmem:$0x1FF20] =	vst v48;
	v0 =	vmul.f32 v0, v0;
	v48 =	vadd.f32 v5, v3;
	v31 =	vsub.f32 v41, v9  }
0xb0: {  	v40 =	vmul.f32 v40, v40;
	v9 =	vsub.f32 v8, v9;
	[tilespmem:$0x1FEA0] =	vst v41;
	v41 =	vsub.f32 v41, v18  }
0xb1: {  	v17 =	vmul.f32 v17, v17;
	v18 =	vsub.f32 v8, v18;
	v15 =	vadd.f32 v16, v15  }
0xb2: {  	v12 =	vmul.f32 v12, v12;
	v16 =	vsub.f32 v51, v38;
	v1 =	vadd.f32 v1, v7  }
0xb3: {  	v3 =	vmul.f32 v14, v14;
	v7 =	vadd.f32 v19, v29;
	v14 =	vadd.f32 v32, v35  }
0xb4: {  	v20 =	vmul.f32 v20, v20;
	v33 =	vsub.f32 v54, v11;
	v11 =	vsub.f32 v23, v11  }
0xb5: {  	v39 =	vmul.f32 v39, v39;
	v0 =	vadd.f32 v17, v0;
	v17 =	vsub.f32 v47, v34  }
0xb6: {  	v60 =	vsub.f32 v54, v38;
	v12 =	vadd.f32 v12, v36;
	v29 =	vmax.f32 v48, $9.999999680e-21  }
0xb7: {  	v31 =	vmul.f32 v31, v31;
	v9 =	vmul.f32 v9, v9;
	v20 =	vadd.f32 v22, v20  }
0xb8: {  	v22 =	vsub.f32 v52, v38;
	v18 =	vmul.f32 v18, v18;
	v41 =	vmul.f32 v41, v41  }
0xb9: {  	[tilespmem:$0x1FF40] =	vst v47;
	v38 =	vsub.f32 v23, v38;
	v16 =	vmul.f32 v16, v16;
	v47 =	vadd.f32 v13, v15  }
0xba: {  	v13 =	vadd.f32 v62, v37;
	vm1 =	vlt.f32 v1, $9.999999770e-03;
	vm3 =	vlt.f32 v7, $9.999999770e-03  }
0xbb: {  	[tilespmem:$0x1FFB0] =	vst v54;
	v36 =	vmax.f32 v7, $9.999999680e-21;
	v54 =	vmul.f32 $5.006240010e-01, v29;
	v11 =	vmul.f32 v11, v11  }
0xbc: {  	vm7 =	vlt.f32 v14, $9.999999770e-03;
	v33 =	vmul.f32 v33, v33;
	v46 =	vmul.f32 v60, v60  }
0xbd: {  	v0 =	vadd.f32 v10, v0;
	v5 =	vmul.f32 v17, v17;
	v10 =	vmul.f32 v30, v30  }
0xbe: {  	v12 =	vadd.f32 v63, v12;
	v30 =	vmax.f32 v1, $9.999999680e-21;
	vm1 =	vmand vm9, vm1  }
0xbf: {  	vm4 =	vmand vm9, vm3;
	v19 =	vshra.s32 v36, $0x1;
	vm7 =	vmand vm13, vm7  }
0xc0: {  	v22 =	vmul.f32 v22, v22;
	v38 =	vmul.f32 v38, v38;
	v16 =	vadd.f32 v16, v40  }
0xc1: {  	[tilespmem:$0x1FFC0] =	vst v23;
	v4 =	vadd.f32 v4, v20;
	v56 =	vmul.f32 $5.006240010e-01, v30;
	vm8 =	vlt.f32 v13, $9.999999770e-03  }
0xc2: {  	[tilespmem:$0x1FF50] =	vst v51;
	v51 =	vmax.f32 v13, $9.999999680e-21;
	v2 =	vsel vm1, $0xFFFFFFFF, v2;
	v23 =	vmpcnt.ones.xlane vm1  }
0xc3: {  	[tilespmem:$0x1FEB0] =	vst v26;
	v26 =	vmpcnt.ones.xlane vm4;
	v9 =	vadd.f32 v11, v9;
	v11 =	vsub.f32 v25, v34  }
0xc4: {  	[tilespmem:$0x1FF70] =	vst v52;
	v52 =	vsub.s32 $0x5F375A86, v19;
	v31 =	vadd.f32 v33, v31;
	v34 =	vsub.f32 v24, v34  }
0xc5: {  	v33 =	vmul.f32 v59, v59;
	v61 =	vadd.f32 v46, v41;
	vm2 =	vlt.f32 v0, $9.999999770e-03  }
0xc6: {  	[tilespmem:$0x1FF90] =	vst v53;
	vm10 =	vlt.f32 v12, $9.999999770e-03;
	v46 =	vmax.f32 v14, $9.999999680e-21;
	v53 =	vmax.f32 v12, $9.999999680e-21  }
0xc7: {  	vm8 =	vmand vm13, vm8;
	v22 =	vadd.f32 v22, v39;
	v18 =	vadd.f32 v38, v18  }
0xc8: {  	v3 =	vadd.f32 v3, v16;
	vm0 =	vlt.f32 v4, $9.999999770e-03;
	vm2 =	vmand vm9, vm2  }
0xc9: {  	vm10 =	vmand vm13, vm10;
	v19 =	vshra.s32 v46, $0x1;
	v33 =	vadd.f32 v33, v42  }
0xca: {  	v6 =	vadd.f32 v6, v9;
	v9 =	vadd.f32 v21, v31;
	v11 =	vmul.f32 v11, v11  }
0xcb: {  	v15 =	vmul.f32 v34, v34;
	v31 =	vmax.f32 v47, $9.999999680e-21;
	v34 =	vmax.f32 v4, $9.999999680e-21  }
0xcc: {  	[tilespmem:$0x1FFA0] =	vst v24;
	vm3 =	vmand vm9, vm0;
	v4 =	vshra.s32 v29, $0x1;
	v24 =	vmpcnt.ones.xlane vm2  }
0xcd: {  	v16 =	vadd.f32 v5, v22;
	v7 =	vshra.s32 v31, $0x1;
	v58 =	vmul.f32 $5.006240010e-01, v31  }
0xce: {  	v63 =	vmul.f32 $5.006240010e-01, v34;
	vm11 =	vlt.f32 v3, $9.999999770e-03;
	v57 =	vmax.f32 v3, $9.999999680e-21  }
0xcf: {  	[tilespmem:$0x1FF80] =	vst v25;
	v25 =	vmpcnt.ones.xlane vm3;
	v44 =	vsub.s32 $0x5F375A86, v4;
	v10 =	vadd.f32 v10, v33  }
0xd0: {  	v15 =	vadd.f32 v15, v18;
	v11 =	vadd.f32 v11, v61;
	vm5 =	vlt.f32 v9, $9.999999770e-03  }
0xd1: {  	vm6 =	vlt.f32 v6, $9.999999770e-03;
	v33 =	vmax.f32 v0, $9.999999680e-21;
	v41 =	vmax.f32 v6, $9.999999680e-21  }
0xd2: {  	v38 =	vmax.f32 v9, $9.999999680e-21;
	v6 =	vshra.s32 v30, $0x1;
	v18 =	vshra.s32 v34, $0x1  }
0xd3: {  	v0 =	vmul.f32 $5.006240010e-01, v36;
	v45 =	vsub.s32 $0x5F375A86, v7;
	vm11 =	vmand vm13, vm11  }
0xd4: {  	vm5 =	vmand vm9, vm5;
	vm6 =	vmand vm9, vm6;
	v17 =	vshra.s32 v33, $0x1  }
0xd5: {  	v61 =	vmul.f32 $5.006240010e-01, v33;
	vm12 =	vlt.f32 v16, $9.999999770e-03;
	v20 =	vshra.s32 v38, $0x1  }
0xd6: {  	v1 =	vmul.f32 $5.006240010e-01, v38;
	v21 =	vshra.s32 v41, $0x1;
	v5 =	vmul.f32 $5.006240010e-01, v41  }
0xd7: {  	[tilespmem:$0x1FF10] =	vst v49;
	v60 =	vmax.f32 v16, $9.999999680e-21;
	v43 =	vsub.s32 $0x5F375A86, v6;
	v49 =	vsub.s32 $0x5F375A86, v18  }
0xd8: {  	v16 =	vmul.f32 $5.006240010e-01, v53;
	v18 =	vmul.f32 $5.006240010e-01, v57;
	vm14 =	vlt.f32 v10, $9.999999770e-03  }
0xd9: {  	p1 =	sne.s32 s13, $0x1;
	vm0 =	vlt.f32 v15, $9.999999770e-03;
	vm15 =	vlt.f32 v11, $9.999999770e-03;
	v62 =	vmax.f32 v10, $9.999999680e-21  }
.Ltmp5:
0xda: {  	[tilespmem:$0x1FF60] =	vst v27;
	v3 =	vmax.f32 v11, $9.999999680e-21;
	v9 =	vmax.f32 v15, $9.999999680e-21;
	v27 =	vmpcnt.ones.xlane vm5;
	(pc) =	sbr.rel @!p1 .LBB2_5-.Ltmp5, $4  }
0xdb: {  	[tilespmem:$0x1FF30] =	vst v50;
	v50 =	vsub.s32 $0x5F375A86, v17;
	vm12 =	vmand vm13, vm12;
	v55 =	vsub.s32 $0x5F375A86, v20  }
0xdc: {  	v4 =	vmpcnt.ones.xlane vm6;
	v15 =	vmul.f32 $5.006240010e-01, v46;
	v59 =	vsub.s32 $0x5F375A86, v21  }
0xdd: {  	[tilespmem:$0x1FEC0] =	vst v8;
	v17 =	vmul.f32 $5.006240010e-01, v51;
	v20 =	vmul.f32 $5.006240010e-01, v60;
	vm14 =	vmand vm13, vm14  }
0xde: {  	s17 =	simm.s32 $0x0;
	s16 =	sadd.s32 $0xFFFFFFFF, s13;
	[tilespmem:$0x1FFD0] =	vst v2;
	vm15 =	vmand vm13, vm15;
	v21 =	vmul.f32 $5.006240010e-01, v3;
	v22 =	vmul.f32 $5.006240010e-01, v62  }
.LBB2_4:
0xdf: {  	[tilespmem:$0x1FE10] =	vst v23;
	v23 =	vmul.f32 $5.006240010e-01, v9  }
0xe0: {  	[tilespmem:$0x1FDE0] =	vst v26;
	vm0 =	vmand vm13, vm0;
	v2 =	vmpcnt.ones.xlane vm7;
	v7 =	vmpcnt.ones.xlane vm10  }
0xe1: {  	[tilespmem:$0x1FE00] =	vst v24;
	v24 =	vshra.s32 v51, $0x1;
	v6 =	vmpcnt.ones.xlane vm8;
	v10 =	vmpcnt.ones.xlane vm11  }
0xe2: {  	[tilespmem:$0x1FDF0] =	vst v25;
	v25 =	vshra.s32 v53, $0x1;
	v26 =	vmul.f32 v44, v54;
	v12 =	vmpcnt.ones.xlane vm14  }
0xe3: {  	v11 =	vmpcnt.ones.xlane vm12;
	v54 =	vshra.s32 v57, $0x1;
	v13 =	vmpcnt.ones.xlane vm15  }
0xe4: {  	[tilespmem:$0x1FDD0] =	vst v27;
	v27 =	vshra.s32 v60, $0x1;
	v40 =	vshra.s32 v62, $0x1;
	v8 =	vmul.f32 v45, v58  }
0xe5: {  	v42 =	vshra.s32 v3, $0x1;
	v63 =	vmul.f32 v49, v63;
	v32 =	vmul.f32 v50, v61  }
0xe6: {  	v35 =	vshra.s32 v9, $0x1;
	v1 =	vmul.f32 v55, v1;
	v37 =	vmul.f32 v52, v0  }
0xe7: {  	v19 =	vsub.s32 $0x5F375A86, v19;
	v5 =	vmul.f32 v59, v5;
	v14 =	vmpcnt.ones.xlane vm0  }
0xe8: {  	v24 =	vsub.s32 $0x5F375A86, v24;
	v27 =	vsub.s32 $0x5F375A86, v27;
	v54 =	vsub.s32 $0x5F375A86, v54  }
0xe9: {  	v25 =	vsub.s32 $0x5F375A86, v25;
	v15 =	vmul.f32 v19, v15;
	[tilespmem:$0x1FDC0] =	vst v2;
	v2 =	vmul.f32 v43, v56  }
0xea: {  	v58 =	vsub.s32 $0x5F375A86, v42;
	v17 =	vmul.f32 v24, v17;
	v18 =	vmul.f32 v54, v18  }
0xeb: {  	v35 =	vsub.s32 $0x5F375A86, v35;
	v16 =	vmul.f32 v25, v16;
	v39 =	vmul.f32 v27, v20  }
0xec: {  	v56 =	vsub.s32 $0x5F375A86, v40;
	v23 =	vmul.f32 v35, v23;
	v40 =	vmul.f32 v58, v21  }
0xed: {  	v42 =	vmul.f32 v44, v26;
	v32 =	vmul.f32 v50, v32  }
0xee: {  	vm13 =	vlt.f32 v48, $9.999999770e-03;
	v8 =	vmul.f32 v45, v8;
	v37 =	vmul.f32 v52, v37  }
0xef: {  	vm1 =	vlt.f32 v47, $9.999999770e-03;
	v63 =	vmul.f32 v49, v63;
	v5 =	vmul.f32 v59, v5  }
0xf0: {  	v28 =	vadd.s32 $0x20, v28;
	v1 =	vmul.f32 v55, v1;
	v22 =	vmul.f32 v56, v22  }
0xf1: {  	vm13 =	vmand vm9, vm13;
	v15 =	vmul.f32 v19, v15;
	v23 =	vmul.f32 v35, v23  }
0xf2: {  	vm9 =	vmand vm9, vm1;
	v2 =	vmul.f32 v43, v2;
	v16 =	vmul.f32 v25, v16  }
0xf3: {  	v40 =	vmul.f32 v58, v40;
	v42 =	vsub.f32 $1.500878930e+00, v42;
	v23 =	vsub.f32 $1.500878930e+00, v23  }
0xf4: {  	v8 =	vsub.f32 $1.500878930e+00, v8;
	v32 =	vsub.f32 $1.500878930e+00, v32;
	v39 =	vmul.f32 v27, v39  }
0xf5: {  	s15 =	sadd.s32 $0x20, s15;
	v37 =	vsub.f32 $1.500878930e+00, v37;
	v47 =	vsub.f32 $1.500878930e+00, v40;
	v23 =	vmul.f32 v35, v23  }
0xf6: {  	v0 =	vld [tilespmem:s15+$0x8010];
	v1 =	vsub.f32 $1.500878930e+00, v1;
	v5 =	vsub.f32 $1.500878930e+00, v5;
	v22 =	vmul.f32 v56, v22  }
0xf7: {  	v20 =	vld [tilespmem:$0x1FED0];
	v9 =	vmul.f32 v23, v9;
	v23 =	vmul.f32 v58, v47;
	v58 =	vsub.f32 $1.500878930e+00, v39  }
0xf8: {  	v18 =	vmul.f32 v54, v18;
	v15 =	vsub.f32 $1.500878930e+00, v15;
	v2 =	vsub.f32 $1.500878930e+00, v2  }
0xf9: {  	v22 =	vsub.f32 $1.500878930e+00, v22;
	v3 =	vmul.f32 v23, v3;
	v23 =	vmul.f32 v27, v58;
	v27 =	vld [tilespmem:$0x1FE40]  }
0xfa: {  	v17 =	vmul.f32 v24, v17;
	v18 =	vsub.f32 $1.500878930e+00, v18;
	v16 =	vsub.f32 $1.500878930e+00, v16  }
0xfb: {  	v5 =	vmul.f32 v59, v5;
	v22 =	vmul.f32 v56, v22;
	v9 =	vsub.f32 $1.000000010e-01, v9  }
0xfc: {  	v1 =	vmul.f32 v55, v1;
	v8 =	vmul.f32 v45, v8;
	v20 =	vsub.f32 v20, v0  }
0xfd: {  	v22 =	vmul.f32 v22, v62;
	v9 =	vnsel vm0, $0x0, v9;
	v3 =	vsub.f32 $1.000000010e-01, v3  }
0xfe: {  	v15 =	vmul.f32 v19, v15;
	v18 =	vmul.f32 v54, v18;
	v9 =	vadd.f32 v9, v27  }
0xff: {  	v61 =	vld [tilespmem:s15+$0x10];
	v22 =	vsub.f32 $1.000000010e-01, v22;
	v23 =	vmul.f32 v23, v60;
	v3 =	vnsel vm15, $0x0, v3  }
0x100: {  	s17 =	sadd.s32 $0x20, s17;
	[tilespmem:$0x1FE20] =	vst v20;
	v20 =	vld [tilespmem:$0x1FEE0];
	v18 =	vmul.f32 v18, v57;
	v3 =	vadd.f32 v9, v3;
	v9 =	vmul.f32 v25, v16  }
0x101: {  	s18 =	sand.u32 $0xFFFFFFE0, s17;
	v54 =	vld [tilespmem:$0x1FF70];
	v16 =	vsub.f32 $1.500878930e+00, v17;
	v17 =	vnsel vm14, $0x0, v22;
	v22 =	vsub.f32 $1.000000010e-01, v23  }
0x102: {  	v2 =	vmul.f32 v43, v2;
	v8 =	vmul.f32 v8, v31;
	v31 =	vld [tilespmem:s18+$0x4000];
	v3 =	vadd.f32 v3, v17  }
0x103: {  	v5 =	vmul.f32 v5, v41;
	v56 =	vld [tilespmem:$0x1FF90];
	v18 =	vsub.f32 $1.000000010e-01, v18;
	v17 =	vnsel vm12, $0x0, v22  }
0x104: {  	v1 =	vmul.f32 v1, v38;
	v15 =	vmul.f32 v15, v46;
	v58 =	vld [tilespmem:$0x1FEA0];
	v3 =	vadd.f32 v3, v17  }
0x105: {  	v5 =	vsub.f32 $1.000000010e-01, v5;
	v21 =	vsub.f32 v20, v0;
	v20 =	vld [tilespmem:$0x1FE50];
	v18 =	vnsel vm11, $0x0, v18  }
0x106: {  	v1 =	vsub.f32 $1.000000010e-01, v1;
	v2 =	vmul.f32 v2, v30;
	v3 =	vadd.f32 v3, v18;
	v18 =	vld [tilespmem:$0x1FE30]  }
0x107: {  	vm1 =	vgt.s32 v28, $0x0;
	v48 =	vsub.f32 $1.500878930e+00, v63;
	v15 =	vsub.f32 $1.000000010e-01, v15  }
0x108: {  	v59 =	vld [tilespmem:$0x1FEC0];
	v5 =	vnsel vm6, $0x0, v5;
	v1 =	vnsel vm5, $0x0, v1;
	v2 =	vsub.f32 $1.000000010e-01, v2  }
0x109: {  	v15 =	vnsel vm7, $0x0, v15;
	v45 =	vsub.f32 v54, v31;
	v21 =	vmul.f32 v21, v21  }
0x10a: {  	v47 =	vsub.f32 v56, v31;
	v16 =	vmul.f32 v24, v16;
	v9 =	vmul.f32 v9, v53  }
0x10b: {  	v19 =	vsub.f32 v58, v61;
	v26 =	vsub.f32 v20, v61;
	v14 =	vadd.s32 v18, v14  }
0x10c: {  	v63 =	vld [tilespmem:$0x1FF60];
	v9 =	vsub.f32 $1.000000010e-01, v9;
	v16 =	vmul.f32 v16, v51;
	v13 =	vadd.s32 v13, v14  }
0x10d: {  	v23 =	vsub.f32 v59, v61;
	v25 =	vld [tilespmem:s18+$0x8000];
	v19 =	vmul.f32 v19, v19;
	v12 =	vadd.s32 v12, v13  }
0x10e: {  	v53 =	vld [tilespmem:$0x1FF80];
	v9 =	vnsel vm10, $0x0, v9;
	v16 =	vsub.f32 $1.000000010e-01, v16;
	v11 =	vadd.s32 v11, v12  }
0x10f: {  	v22 =	vadd.s32 $0x10, v28;
	v3 =	vadd.f32 v3, v9;
	v10 =	vadd.s32 v10, v11  }
0x110: {  	v60 =	vld [tilespmem:$0x1FFB0];
	v26 =	vmul.f32 v26, v26;
	v9 =	vnsel vm8, $0x0, v16;
	v7 =	vadd.s32 v7, v10  }
0x111: {  	v23 =	vmul.f32 v23, v23;
	v3 =	vadd.f32 v3, v9;
	v6 =	vadd.s32 v6, v7;
	v7 =	vld [tilespmem:$0x1FDC0]  }
0x112: {  	v17 =	vmul.f32 v44, v42;
	v44 =	vsub.f32 v63, v25;
	v9 =	vmul.f32 v52, v37;
	v52 =	vld [tilespmem:$0x1FE80]  }
0x113: {  	v46 =	vsub.f32 v53, v25;
	v3 =	vadd.f32 v3, v15;
	v15 =	vmul.f32 v49, v48  }
0x114: {  	v62 =	vld [tilespmem:$0x1FE90];
	v16 =	vmul.f32 v50, v32;
	v9 =	vmul.f32 v9, v36;
	v13 =	vsub.f32 v63, v0  }
0x115: {  	v63 =	vsub.f32 v60, v31;
	v3 =	vadd.f32 v5, v3;
	v5 =	vmul.f32 v15, v34;
	v12 =	vld [tilespmem:s15+$0x0]  }
0x116: {  	v9 =	vsub.f32 $1.000000010e-01, v9;
	v15 =	vsub.f32 v53, v0;
	v6 =	vadd.s32 v7, v6;
	v7 =	vld [tilespmem:$0x1FDD0]  }
0x117: {  	v14 =	vsub.f32 v52, v61;
	v13 =	vmul.f32 v13, v13;
	v1 =	vadd.f32 v3, v1  }
0x118: {  	v55 =	vld [tilespmem:$0x1FEB0];
	v3 =	vmul.f32 v16, v33;
	v9 =	vnsel vm4, $0x0, v9;
	v5 =	vsub.f32 $1.000000010e-01, v5  }
0x119: {  	v10 =	vsub.f32 v62, v61;
	v15 =	vmul.f32 v15, v15;
	v14 =	vmul.f32 v14, v14  }
0x11a: {  	v42 =	vld [tilespmem:$0x1FF40];
	v1 =	vadd.f32 v1, v9;
	v5 =	vnsel vm3, $0x0, v5;
	v4 =	vadd.s32 v4, v6  }
0x11b: {  	v3 =	vsub.f32 $1.000000010e-01, v3;
	v27 =	vsub.f32 v20, v12;
	v4 =	vadd.s32 v7, v4;
	v7 =	vld [tilespmem:$0x1FDE0]  }
0x11c: {  	v41 =	vld [tilespmem:$0x1FF30];
	vm3 =	vgt.s32 v22, $0x0;
	v32 =	vsub.f32 v52, v12;
	v33 =	vsub.f32 v62, v12  }
0x11d: {  	v10 =	vmul.f32 v10, v10;
	v20 =	vld [tilespmem:$0x1FFE0];
	v34 =	vsub.f32 v58, v12;
	v35 =	vsub.f32 v55, v12  }
0x11e: {  	v62 =	vld [tilespmem:$0x1FEE0];
	v1 =	vadd.f32 v1, v5;
	v3 =	vnsel vm2, $0x0, v3;
	v5 =	vsub.f32 $1.000000010e-01, v8  }
0x11f: {  	v8 =	vsub.f32 v42, v0;
	v42 =	vsub.f32 v42, v25;
	v27 =	vmul.f32 v27, v27;
	v6 =	vld [tilespmem:s15+$0x4010]  }
0x120: {  	v33 =	vmul.f32 v33, v33;
	v35 =	vmul.f32 v35, v35;
	v4 =	vadd.s32 v7, v4;
	v7 =	vld [tilespmem:$0x1FDF0]  }
0x121: {  	v43 =	vld [tilespmem:$0x1FF50];
	v32 =	vmul.f32 v32, v32;
	v34 =	vmul.f32 v34, v34;
	v1 =	vadd.f32 v1, v3  }
0x122: {  	v3 =	vmul.f32 v17, v29;
	v5 =	vnsel vm9, $0x0, v5;
	v17 =	vsub.f32 v55, v61  }
0x123: {  	v8 =	vmul.f32 v8, v8;
	vm2 =	vlt.s32 v28, v20;
	vm4 =	vlt.s32 v22, v20;
	v20 =	vld [tilespmem:$0x1FE20]  }
0x124: {  	v1 =	vadd.f32 v1, v5;
	v5 =	vmpcnt.ones.xlane vm9;
	v3 =	vsub.f32 $1.000000010e-01, v3;
	v22 =	vld [tilespmem:$0x1FED0]  }
0x125: {  	v36 =	vsub.f32 v62, v25;
	v9 =	vsub.f32 v41, v6;
	v4 =	vadd.s32 v7, v4;
	v7 =	vld [tilespmem:$0x1FE00]  }
0x126: {  	v17 =	vmul.f32 v17, v17;
	v11 =	vsub.f32 v43, v6;
	v16 =	vsub.f32 v54, v6  }
0x127: {  	vm9 =	vmand vm3, vm4;
	v18 =	vsub.f32 v56, v6;
	v24 =	vsub.f32 v60, v6  }
0x128: {  	v3 =	vnsel vm13, $0x0, v3;
	v41 =	vsub.f32 v41, v31;
	v43 =	vsub.f32 v43, v31  }
0x129: {  	v20 =	vmul.f32 v20, v20;
	v22 =	vsub.f32 v22, v25;
	v16 =	vmul.f32 v16, v16  }
0x12a: {  	v11 =	vmul.f32 v11, v11;
	v18 =	vmul.f32 v18, v18;
	v4 =	vadd.s32 v7, v4;
	v7 =	vld [tilespmem:$0x1FFD0]  }
0x12b: {  	v37 =	vld [tilespmem:$0x1FEF0];
	v9 =	vmul.f32 v9, v9;
	v24 =	vmul.f32 v24, v24;
	v14 =	vadd.f32 v16, v14  }
0x12c: {  	v40 =	vld [tilespmem:$0x1FF20];
	v10 =	vadd.f32 v11, v10;
	v11 =	vadd.f32 v18, v17;
	v18 =	vmul.f32 v63, v63  }
0x12d: {  	v38 =	vld [tilespmem:$0x1FF00];
	v41 =	vmul.f32 v41, v41;
	v22 =	vmul.f32 v22, v22;
	v8 =	vadd.f32 v8, v14  }
0x12e: {  	v39 =	vld [tilespmem:$0x1FF10];
	v16 =	vmul.f32 v47, v47;
	v17 =	vadd.f32 v24, v19;
	v18 =	vadd.f32 v18, v34  }
0x12f: {  	v34 =	vmax.f32 v8, $9.999999680e-21;
	v4 =	vadd.s32 v5, v4;
	vm0 =	vnez.u8 v7;
	v7 =	vld [tilespmem:$0x1FE10]  }
0x130: {  	v57 =	vld [tilespmem:$0x1FFA0];
	v5 =	vsub.f32 v37, v6;
	v37 =	vsub.f32 v37, v31;
	v2 =	vnsel vm0, $0x0, v2  }
0x131: {  	v29 =	vld [tilespmem:$0x1FE60];
	v16 =	vadd.f32 v16, v35;
	v63 =	vmul.f32 $5.006240010e-01, v34;
	v1 =	vadd.f32 v1, v2  }
0x132: {  	v5 =	vmul.f32 v5, v5;
	v37 =	vmul.f32 v37, v37;
	vm0 =	vlt.f32 v8, $9.999999770e-03  }
0x133: {  	v30 =	vld [tilespmem:$0x1FE70];
	v2 =	vmpcnt.ones.xlane vm13;
	v1 =	vadd.f32 v1, v3;
	v3 =	vsub.f32 v40, v0  }
0x134: {  	v40 =	vsub.f32 v40, v25;
	v4 =	vadd.s32 v7, v4;
	v7 =	vsub.f32 v38, v0  }
0x135: {  	vm13 =	vmand vm1, vm2;
	v0 =	vsub.f32 v57, v0;
	v38 =	vsub.f32 v38, v25  }
0x136: {  	[tilespmem:$0x1FE40] =	vst v1;
	v1 =	vadd.s32 v2, v4;
	v2 =	vsub.f32 v39, v6;
	v4 =	vsub.f32 v29, v61  }
0x137: {  	v29 =	vsub.f32 v29, v12;
	v3 =	vmul.f32 v3, v3;
	v39 =	vsub.f32 v39, v31  }
0x138: {  	[tilespmem:$0x1FE30] =	vst v1;
	v1 =	vsub.f32 v30, v61;
	v7 =	vmul.f32 v7, v7;
	v0 =	vmul.f32 v0, v0  }
0x139: {  	v30 =	vsub.f32 v30, v12;
	v2 =	vmul.f32 v2, v2;
	v4 =	vmul.f32 v4, v4  }
0x13a: {  	v12 =	vsub.f32 v59, v12;
	v29 =	vmul.f32 v29, v29;
	v39 =	vmul.f32 v39, v39  }
0x13b: {  	v61 =	vld [tilespmem:$0x1FFC0];
	v3 =	vadd.f32 v3, v10;
	v10 =	vmul.f32 v44, v44;
	v1 =	vmul.f32 v1, v1  }
0x13c: {  	v25 =	vsub.f32 v57, v25;
	v30 =	vmul.f32 v30, v30;
	v12 =	vmul.f32 v12, v12  }
0x13d: {  	v4 =	vadd.f32 v9, v4;
	v9 =	vmul.f32 v45, v45;
	v10 =	vadd.f32 v10, v16  }
0x13e: {  	vm1 =	vlt.f32 v3, $9.999999770e-03;
	v1 =	vadd.f32 v2, v1;
	v2 =	vadd.f32 v5, v26  }
0x13f: {  	v5 =	vmul.f32 v43, v43;
	v19 =	vadd.f32 v39, v30;
	v26 =	vadd.f32 v41, v29  }
0x140: {  	vm1 =	vmand vm9, vm1;
	v6 =	vsub.f32 v61, v6;
	v31 =	vsub.f32 v61, v31  }
0x141: {  	v9 =	vadd.f32 v9, v32;
	v47 =	vadd.f32 v7, v4;
	v4 =	vmul.f32 v42, v42  }
0x142: {  	v7 =	vadd.f32 v13, v11;
	v11 =	vmul.f32 v46, v46;
	vm14 =	vlt.f32 v10, $9.999999770e-03  }
0x143: {  	v62 =	vmax.f32 v10, $9.999999680e-21;
	v5 =	vadd.f32 v5, v33;
	v1 =	vadd.f32 v21, v1  }
0x144: {  	v48 =	vadd.f32 v20, v2;
	v2 =	vmul.f32 v40, v40;
	v33 =	vmax.f32 v3, $9.999999680e-21  }
0x145: {  	vm14 =	vmand vm13, vm14;
	v6 =	vmul.f32 v6, v6;
	v24 =	vmul.f32 v31, v31  }
0x146: {  	v4 =	vadd.f32 v4, v9;
	v11 =	vadd.f32 v11, v18;
	vm3 =	vlt.f32 v7, $9.999999770e-03  }
0x147: {  	v31 =	vmax.f32 v47, $9.999999680e-21;
	v61 =	vmul.f32 $5.006240010e-01, v33;
	v2 =	vadd.f32 v2, v5  }
0x148: {  	vm2 =	vlt.f32 v1, $9.999999770e-03;
	v29 =	vmax.f32 v48, $9.999999680e-21;
	v30 =	vmax.f32 v1, $9.999999680e-21  }
0x149: {  	vm4 =	vmand vm9, vm3;
	vm3 =	vmand vm9, vm0;
	v8 =	vshra.s32 v31, $0x1  }
0x14a: {  	v58 =	vmul.f32 $5.006240010e-01, v31;
	v6 =	vadd.f32 v6, v23;
	v23 =	vadd.f32 v37, v27  }
0x14b: {  	v12 =	vadd.f32 v24, v12;
	v24 =	vmul.f32 v36, v36;
	v27 =	vmul.f32 v38, v38  }
0x14c: {  	v36 =	vmax.f32 v7, $9.999999680e-21;
	vm2 =	vmand vm9, vm2;
	v54 =	vmul.f32 $5.006240010e-01, v29  }
0x14d: {  	v7 =	vshra.s32 v30, $0x1;
	v56 =	vmul.f32 $5.006240010e-01, v30;
	vm12 =	vlt.f32 v4, $9.999999770e-03  }
0x14e: {  	vm15 =	vlt.f32 v11, $9.999999770e-03;
	v60 =	vmax.f32 v4, $9.999999680e-21;
	v3 =	vmax.f32 v11, $9.999999680e-21  }
0x14f: {  	v45 =	vsub.s32 $0x5F375A86, v8;
	vm11 =	vlt.f32 v2, $9.999999770e-03;
	v16 =	vshra.s32 v36, $0x1  }
0x150: {  	v57 =	vmax.f32 v2, $9.999999680e-21;
	v2 =	vimm.s32 $0x0;
	v43 =	vsub.s32 $0x5F375A86, v7  }
0x151: {  	vm12 =	vmand vm13, vm12;
	vm15 =	vmand vm13, vm15;
	v20 =	vmul.f32 $5.006240010e-01, v60  }
0x152: {  	v21 =	vmul.f32 $5.006240010e-01, v3;
	v0 =	vadd.f32 v0, v6;
	v6 =	vadd.f32 v15, v17  }
0x153: {  	v13 =	vadd.f32 v24, v19;
	v14 =	vadd.f32 v22, v23;
	v15 =	vmul.f32 v25, v25  }
0x154: {  	v17 =	vadd.f32 v27, v26;
	v2 =	vsel vm2, $0xFFFFFFFF, v2;
	v23 =	vmpcnt.ones.xlane vm2  }
0x155: {  	vm2 =	vmmov vm1;
	v25 =	vmpcnt.ones.xlane vm3;
	v24 =	vmpcnt.ones.xlane vm1  }
0x156: {  	v26 =	vmpcnt.ones.xlane vm4;
	vm11 =	vmand vm13, vm11;
	v52 =	vsub.s32 $0x5F375A86, v16  }
0x157: {  	v22 =	vmul.f32 $5.006240010e-01, v62;
	v9 =	vadd.f32 v15, v12;
	vm5 =	vlt.f32 v6, $9.999999770e-03  }
0x158: {  	vm6 =	vlt.f32 v0, $9.999999770e-03;
	v41 =	vmax.f32 v0, $9.999999680e-21;
	v38 =	vmax.f32 v6, $9.999999680e-21  }
0x159: {  	v6 =	vshra.s32 v29, $0x1;
	vm7 =	vlt.f32 v14, $9.999999770e-03;
	vm8 =	vlt.f32 v13, $9.999999770e-03  }
0x15a: {  	v12 =	vshra.s32 v33, $0x1;
	vm10 =	vlt.f32 v17, $9.999999770e-03;
	v15 =	vshra.s32 v34, $0x1  }
0x15b: {  	v0 =	vmul.f32 $5.006240010e-01, v36;
	v46 =	vmax.f32 v14, $9.999999680e-21;
	v53 =	vmax.f32 v17, $9.999999680e-21  }
0x15c: {  	v51 =	vmax.f32 v13, $9.999999680e-21;
	vm5 =	vmand vm9, vm5;
	vm6 =	vmand vm9, vm6  }
0x15d: {  	v18 =	vshra.s32 v38, $0x1;
	v1 =	vmul.f32 $5.006240010e-01, v38;
	v19 =	vshra.s32 v41, $0x1  }
0x15e: {  	p1 =	sne.s32 s16, $0x1;
	v5 =	vmul.f32 $5.006240010e-01, v41;
	v44 =	vsub.s32 $0x5F375A86, v6;
	vm8 =	vmand vm13, vm8  }
.Ltmp6:
0x15f: {  	vm7 =	vmand vm13, vm7;
	vm10 =	vmand vm13, vm10;
	v49 =	vsub.s32 $0x5F375A86, v15;
	(pc) =	sbr.rel @p1 .LBB2_4-.Ltmp6, $4  }
0x160: {  	v50 =	vsub.s32 $0x5F375A86, v12;
	v15 =	vmul.f32 $5.006240010e-01, v46;
	v16 =	vmul.f32 $5.006240010e-01, v53  }
0x161: {  	v17 =	vmul.f32 $5.006240010e-01, v51;
	vm0 =	vlt.f32 v9, $9.999999770e-03;
	v9 =	vmax.f32 v9, $9.999999680e-21  }
0x162: {  	v27 =	vmpcnt.ones.xlane vm5;
	v4 =	vmpcnt.ones.xlane vm6;
	v55 =	vsub.s32 $0x5F375A86, v18  }
0x163: {  	s16 =	sadd.s32 $0xFFFFFFFF, s16;
	[tilespmem:$0x1FFD0] =	vst v2;
	v59 =	vsub.s32 $0x5F375A86, v19;
	v18 =	vmul.f32 $5.006240010e-01, v57;
	v19 =	vshra.s32 v46, $0x1  }
.Ltmp7:
0x164: {  	_ = 	snop;
	(pc) =	sbr.rel .LBB2_5-.Ltmp7, $1  }
0x165: {  	_ =	sdelay $0x3  }
.LBB2_8:
0x166: {  	_ =	sfence.sel $0x180000  }
0x167: {  	[bflag:$0x0] =	sbarrier.arrive $0xFFFF  }
0x168: {  	p0 =	sne.s32 s0, $0x0;
	_ =	strace $0x90000047  }
0x169: {  	s0 =	sadd.s32 @!p0 $0x100000, s1;
	[bflag:$0x2] =	sbarrier.arrive $0xFFFF  }
0x16a: {  	[sflag:s0] =	ssyncadd.tile.s32 @!p0 $0x1;
	_ =	shalt  }
.Lfunc_end2:
_tile_overlayer_lowered:
.L_overlay_start_2:
0x16b: {  	(tag) =	ssettag $0x2  }
0x16c: {  	s0 =	rddreg [dreg:$0x0];
	s2 =	stileid.u32  }
0x16d: {  	s1 =	rddreg [dreg:$0x1];
	p0 =	sne.s32 s2, $0x0  }
0x16e: {  	s3 =	rddreg [dreg:$0x2];
	[bflag:$0x3] =	sbarrier.arrive $0xFFFF;
	s2 =	simm.s32 @!p0 $0x1C01  }
0x16f: {  	[timem:s3], [sflag:s2] =	dma.local @!p0 [hbm:s0], s1  }
0x170: {  	s0 =	simm.s32 @!p0 $0x1  }
0x171: {  	_ =	swait.ge @!p0 [sflag:s0], s1  }
0x172: {  	s1 =	ssub.s32 @!p0 $0x0, s1;
	[sflag:s0] =	ssyncset.done @!p0 $0x0  }
0x173: {  	[sflag:s0] =	ssyncadd.s32 @!p0 s1  }
0x174: {  	[bflag:$0x3] =	sbarrier.arrive $0xFFFF  }
0x175: {  	_ =	shalt  }

</sc_bundles>
